<compile_context>
chip_gen: v7x
topology: tpu7x:2x2x1
jax: 0.10.2.dev20260603
libtpu: 0.0.44.dev20260713+nightly
codegen_flags: <defaults>
</compile_context>

<pallas_src>
import functools

import jax
import jax.numpy as jnp
from jax import lax
from jax.experimental import pallas as pl
from jax.experimental.pallas import tpu as pltpu
from jax.experimental.pallas import tpu_sc as plsc

N_USERS = 100000
EMBED_DIM = 64
B = 4096

NUM_CORES = 2
NUM_SUBCORES = 16
LANES = 16
NW = NUM_CORES * NUM_SUBCORES
PER_W = B // NW
ROWS_PER_W = 2 * PER_W

S4 = 25088
TROW = 6272
TGRID = S4 // TROW
MLP_GRID = 4


def _sc_gather_body(users_hbm, items_hbm, table_hbm, out_hbm,
                    idx_v, rows_v, sem):
    wid = lax.axis_index("s") * NUM_CORES + lax.axis_index("c")
    base = wid * PER_W
    pltpu.sync_copy(users_hbm.at[pl.ds(base, PER_W)], idx_v.at[pl.ds(0, PER_W)])
    pltpu.sync_copy(items_hbm.at[pl.ds(base, PER_W)],
                    idx_v.at[pl.ds(PER_W, PER_W)])
    lane = lax.iota(jnp.int32, LANES)

    def chunk_body(c, _):
        vec = idx_v[pl.ds(c * LANES, LANES)]
        vec = vec - jnp.where(vec >= 2 * S4, 2 * S4, 0)
        vec = vec - jnp.where(vec >= S4, S4, 0)
        for j in range(LANES):
            p = jnp.sum(jnp.where(lane == j, vec, 0))
            pltpu.async_copy(table_hbm.at[pl.ds(p, 1)],
                             rows_v.at[pl.ds(c * LANES + j, 1)], sem)
        return 0

    lax.fori_loop(0, ROWS_PER_W // LANES, chunk_body, 0)
    pltpu.make_async_copy(table_hbm.at[pl.ds(0, ROWS_PER_W)], rows_v, sem).wait()
    pltpu.sync_copy(rows_v.at[pl.ds(0, PER_W)], out_hbm.at[pl.ds(base, PER_W)])
    pltpu.sync_copy(rows_v.at[pl.ds(PER_W, PER_W)],
                    out_hbm.at[pl.ds(B + base, PER_W)])


def _make_sc_gather():
    return functools.partial(
        pl.kernel,
        mesh=plsc.VectorSubcoreMesh(core_axis_name="c", subcore_axis_name="s"),
        out_type=jax.ShapeDtypeStruct((2 * B, 2 * EMBED_DIM), jnp.int32),
        scratch_types=[
            pltpu.VMEM((ROWS_PER_W,), jnp.int32),
            pltpu.VMEM((ROWS_PER_W, 2 * EMBED_DIM), jnp.int32),
            pltpu.SemaphoreType.DMA,
        ],
        compiler_params=pltpu.CompilerParams(needs_layout_passes=False),
    )(_sc_gather_body)


def _unpack(w_ref, idx_ref):
    idx = idx_ref[...]
    ge1 = idx >= S4
    ge2 = idx >= 2 * S4
    ge3 = idx >= 3 * S4
    m = ge1 ^ ge2 ^ ge3
    w = jnp.where(m, w_ref[:, EMBED_DIM:], w_ref[:, :EMBED_DIM])
    wu = lax.bitcast_convert_type(w, jnp.uint32)
    lo = lax.bitcast_convert_type(wu << 16, jnp.float32)
    hi = lax.bitcast_convert_type(wu & jnp.uint32(0xFFFF0000), jnp.float32)
    return jnp.where(ge2, hi, lo)


def _mlp_body(u_ref, i_ref, gu_ref, gi_ref, w1_ref, b1_ref, w2_ref, b2_ref,
              w3_ref, b3_ref, w4_ref, out_ref):
    u = _unpack(u_ref, gu_ref)
    it = _unpack(i_ref, gi_ref)
    x = (u @ w1_ref[:EMBED_DIM, :] + it @ w1_ref[EMBED_DIM:, :]
         + b1_ref[...].reshape(1, -1))
    x = jnp.maximum(x, 0.0)
    x = jnp.maximum(x @ w2_ref[...] + b2_ref[...].reshape(1, -1), 0.0)
    x = jnp.maximum(x @ w3_ref[...] + b3_ref[...].reshape(1, -1), 0.0)
    out_ref[...] = (x @ w4_ref[...]).T


def _rtne_bf16_hi(x):
    b = lax.bitcast_convert_type(x, jnp.uint32)
    r = b + jnp.uint32(0x7FFF) + ((b >> 16) & jnp.uint32(1))
    return r & jnp.uint32(0xFFFF0000)


def _transpose_body(t0_ref, t1_ref, t2_ref, t3_ref, out_ref):
    n = 2 * EMBED_DIM
    row = lax.broadcasted_iota(jnp.int32, (n, n), 0)
    col = lax.broadcasted_iota(jnp.int32, (n, n), 1)
    eye = (row == col).astype(jnp.float32)
    a01 = jnp.concatenate([t0_ref[...], t1_ref[...]], axis=0)
    t3 = t3_ref[...]
    t3 = jnp.where(jnp.abs(t3) < jnp.float32(1e30), t3, 0.0)
    a23 = jnp.concatenate([t2_ref[...], t3], axis=0)
    ta = lax.dot_general(a01, eye, (((0,), (0,)), ((), ())),
                         preferred_element_type=jnp.float32)
    tb = lax.dot_general(a23, eye, (((0,), (0,)), ((), ())),
                         preferred_element_type=jnp.float32)
    packed = (_rtne_bf16_hi(ta) >> 16) | _rtne_bf16_hi(tb)
    out_ref[...] = lax.bitcast_convert_type(packed, jnp.int32)


def _relayout_table(table_user):
    tt = table_user.T
    return pl.pallas_call(
        _transpose_body,
        grid=(TGRID,),
        in_specs=[
            pl.BlockSpec((EMBED_DIM, TROW), lambda i: (0, i)),
            pl.BlockSpec((EMBED_DIM, TROW), lambda i: (0, i + TGRID)),
            pl.BlockSpec((EMBED_DIM, TROW), lambda i: (0, i + 2 * TGRID)),
            pl.BlockSpec((EMBED_DIM, TROW), lambda i: (0, i + 3 * TGRID)),
        ],
        out_specs=pl.BlockSpec((TROW, 2 * EMBED_DIM), lambda i: (i, 0)),
        out_shape=jax.ShapeDtypeStruct((S4, 2 * EMBED_DIM), jnp.int32),
        compiler_params=pltpu.CompilerParams(fuse_transposed_lhs_in_matmul=True),
    )(tt, tt, tt, tt)


def kernel(users, items, table_user, W1, b1, W2, b2, W3, b3, W4):
    users = users.astype(jnp.int32)
    items = items.astype(jnp.int32)
    tbl = _relayout_table(table_user)
    emb = _make_sc_gather()(users, items, tbl)
    bm = B // MLP_GRID
    nb = B // bm
    full = lambda a: pl.BlockSpec(a.shape, lambda i: (0,) * a.ndim)
    score = pl.pallas_call(
        _mlp_body,
        grid=(MLP_GRID,),
        in_specs=[
            pl.BlockSpec((bm, 2 * EMBED_DIM), lambda i: (i, 0)),
            pl.BlockSpec((bm, 2 * EMBED_DIM), lambda i: (i + nb, 0)),
            pl.BlockSpec((bm, 1), lambda i: (i, 0)),
            pl.BlockSpec((bm, 1), lambda i: (i, 0)),
            full(W1), full(b1), full(W2), full(b2), full(W3), full(b3),
            full(W4),
        ],
        out_specs=pl.BlockSpec((1, bm), lambda i: (0, i)),
        out_shape=jax.ShapeDtypeStruct((1, B), jnp.float32),
    )(emb, emb, users.reshape(B, 1), items.reshape(B, 1),
      W1, b1, W2, b2, W3, b3, W4)
    return score.T

# --- scband reference (transcript-rebuilt; emitter-appended) ---
"""Pipeline reference for scband-mlpcollaborative-filterer-77266461655048 (READ-ONLY COPY).

The authoritative reference and input builder live on the scoring server;
editing this copy changes nothing except your own understanding.
"""

import jax, jax.numpy as jnp
import numpy as np

N_USERS = 100000
EMBED_DIM = 64
B = 4096

def setup_inputs(seed: int = 0) -> dict:
    key = jax.random.key(seed)
    ks = jax.random.split(key, 12)
    users = jax.random.randint(ks[0], (B,), 0, N_USERS, dtype=jnp.int64) if jax.config.jax_enable_x64 else jax.random.randint(ks[0], (B,), 0, N_USERS, dtype=jnp.int32)
    items = jax.random.randint(ks[1], (B,), 0, N_USERS, dtype=jnp.int64) if jax.config.jax_enable_x64 else jax.random.randint(ks[1], (B,), 0, N_USERS, dtype=jnp.int32)
    table_user = jax.random.normal(ks[2], (N_USERS, EMBED_DIM), dtype=jnp.float32) * 0.1
    table_item = jax.random.normal(ks[3], (N_USERS, EMBED_DIM), dtype=jnp.float32) * 0.1  # unused by forward (original code bug: items looked up in user table)
    W1 = jax.random.normal(ks[4], (2 * EMBED_DIM, 256), dtype=jnp.float32) * (1.0 / np.sqrt(2 * EMBED_DIM))
    b1 = jnp.zeros((256,), dtype=jnp.float32)
    W2 = jax.random.normal(ks[5], (256, 128), dtype=jnp.float32) * (1.0 / np.sqrt(256))
    b2 = jnp.zeros((128,), dtype=jnp.float32)
    W3 = jax.random.normal(ks[6], (128, 64), dtype=jnp.float32) * (1.0 / np.sqrt(128))
    b3 = jnp.zeros((64,), dtype=jnp.float32)
    W4 = jax.random.normal(ks[7], (64, 1), dtype=jnp.float32) * (1.0 / np.sqrt(64))
    return {"users": users, "items": items, "table_user": table_user,
            "W1": W1, "b1": b1, "W2": W2, "b2": b2, "W3": W3, "b3": b3, "W4": W4}

def reference(users, items, table_user, W1, b1, W2, b2, W3, b3, W4):
    # Faithful to original: BOTH users and items are looked up in the USER table
    # (original forward calls self.embed_user(items)).
    user_embeddings = jnp.take(table_user, users, axis=0)
    item_embeddings = jnp.take(table_user, items, axis=0)
    x = jnp.concatenate([user_embeddings, item_embeddings], axis=1)
    x = jnp.maximum(x @ W1 + b1, 0.0)
    x = jnp.maximum(x @ W2 + b2, 0.0)
    x = jnp.maximum(x @ W3 + b3, 0.0)
    score = x @ W4  # final linear, no bias
    return score

if __name__ == "__main__":
    import jax
    _d = setup_inputs()
    print(jax.jit(kernel)(*tuple(_d.values())))

</pallas_src>

<mosaic_0001>
#map = affine_map<(d0, d1) -> (0)>
#map1 = affine_map<(d0, d1) -> (0, 0)>
module attributes {stable_mosaic.version = 14 : i64} {
  func.func @_sc_gather_body(%arg0: i32, %arg1: i32, %arg2: memref<4096xi32, #tpu.memory_space<hbm>>, %arg3: memref<4096xi32, #tpu.memory_space<hbm>>, %arg4: memref<25088x128xi32, #tpu.memory_space<hbm>>, %arg5: memref<8192x128xi32, #tpu.memory_space<hbm>>, %arg6: memref<256xi32, #tpu.memory_space<vmem>>, %arg7: memref<256x128xi32, #tpu.memory_space<vmem>>, %arg8: memref<!tpu.dma_semaphore, #tpu.memory_space<semaphore_mem>>) attributes {dimension_semantics = [#tpu.dimension_semantics<core_parallel>, #tpu.dimension_semantics<subcore_parallel>], iteration_bounds = array<i64: 2, 16>, scalar_prefetch = 0 : i64, scratch_operands = 3 : i64, tpu.core_type = #tpu.core_type<sc_vector_subcore>, window_params = [{transform_indices = #map}, {transform_indices = #map}, {transform_indices = #map1}, {transform_indices = #map1}]} {
    %mul3A = arith.constant 2 : i32
    %mul3A_0 = arith.muli %arg1, %mul3A : i32
    %add3A = arith.addi %mul3A_0, %arg0 : i32
    %mul3A_1 = arith.constant 128 : i32
    %mul3A_2 = arith.muli %add3A, %mul3A_1 : i32
    "tpu.region"() ({
      %run_scoped3A = tpu.sem_alloc : memref<!tpu.dma_semaphore, #tpu.memory_space<semaphore_mem>>
      %dma_start3A = arith.constant 0 : i32
      %dma_start3A_16 = tpu.memref_slice %arg6[%dma_start3A] : memref<256xi32, #tpu.memory_space<vmem>> -> memref<128xi32, #tpu.memory_space<vmem>>
      %dma_start3A_17 = tpu.memref_slice %arg2[%mul3A_2] : memref<4096xi32, #tpu.memory_space<hbm>> -> memref<128xi32, #tpu.memory_space<hbm>>
      %dma_start3A_18 = arith.constant 0 : i32
      %dma_start3A_19 = tpu.memref_slice %arg6[%dma_start3A_18] : memref<256xi32, #tpu.memory_space<vmem>> -> memref<128xi32, #tpu.memory_space<vmem>>
      %dma_start3A_20 = tpu.memref_slice %arg2[%mul3A_2] : memref<4096xi32, #tpu.memory_space<hbm>> -> memref<128xi32, #tpu.memory_space<hbm>>
      tpu.enqueue_dma source(%dma_start3A_20 : memref<128xi32, #tpu.memory_space<hbm>>) target(%dma_start3A_19 : memref<128xi32, #tpu.memory_space<vmem>>) target_semaphore(%run_scoped3A : memref<!tpu.dma_semaphore, #tpu.memory_space<semaphore_mem>>)
      %dma_wait3A_21 = arith.constant 0 : i32
      %dma_wait3A_22 = tpu.memref_slice %arg6[%dma_wait3A_21] : memref<256xi32, #tpu.memory_space<vmem>> -> memref<128xi32, #tpu.memory_space<vmem>>
      %dma_wait3A_23 = tpu.memref_slice %arg2[%mul3A_2] : memref<4096xi32, #tpu.memory_space<hbm>> -> memref<128xi32, #tpu.memory_space<hbm>>
      %dma_wait3A_24 = arith.constant 0 : i32
      %dma_wait3A_25 = tpu.memref_slice %arg6[%dma_wait3A_24] : memref<256xi32, #tpu.memory_space<vmem>> -> memref<128xi32, #tpu.memory_space<vmem>>
      %dma_wait3A_26 = tpu.memref_slice %arg2[%mul3A_2] : memref<4096xi32, #tpu.memory_space<hbm>> -> memref<128xi32, #tpu.memory_space<hbm>>
      tpu.wait_dma2 semaphore(%run_scoped3A : memref<!tpu.dma_semaphore, #tpu.memory_space<semaphore_mem>>) src(%dma_wait3A_26 : memref<128xi32, #tpu.memory_space<hbm>>) dst(%dma_wait3A_25 : memref<128xi32, #tpu.memory_space<vmem>>)
      tpu.yield
    }) : () -> ()
    "tpu.region"() ({
      %run_scoped3A = tpu.sem_alloc : memref<!tpu.dma_semaphore, #tpu.memory_space<semaphore_mem>>
      %dma_start3A = arith.constant 128 : i32
      %dma_start3A_16 = tpu.memref_slice %arg6[%dma_start3A] : memref<256xi32, #tpu.memory_space<vmem>> -> memref<128xi32, #tpu.memory_space<vmem>>
      %dma_start3A_17 = tpu.memref_slice %arg3[%mul3A_2] : memref<4096xi32, #tpu.memory_space<hbm>> -> memref<128xi32, #tpu.memory_space<hbm>>
      %dma_start3A_18 = arith.constant 128 : i32
      %dma_start3A_19 = tpu.memref_slice %arg6[%dma_start3A_18] : memref<256xi32, #tpu.memory_space<vmem>> -> memref<128xi32, #tpu.memory_space<vmem>>
      %dma_start3A_20 = tpu.memref_slice %arg3[%mul3A_2] : memref<4096xi32, #tpu.memory_space<hbm>> -> memref<128xi32, #tpu.memory_space<hbm>>
      tpu.enqueue_dma source(%dma_start3A_20 : memref<128xi32, #tpu.memory_space<hbm>>) target(%dma_start3A_19 : memref<128xi32, #tpu.memory_space<vmem>>) target_semaphore(%run_scoped3A : memref<!tpu.dma_semaphore, #tpu.memory_space<semaphore_mem>>)
      %dma_wait3A_21 = arith.constant 128 : i32
      %dma_wait3A_22 = tpu.memref_slice %arg6[%dma_wait3A_21] : memref<256xi32, #tpu.memory_space<vmem>> -> memref<128xi32, #tpu.memory_space<vmem>>
      %dma_wait3A_23 = tpu.memref_slice %arg3[%mul3A_2] : memref<4096xi32, #tpu.memory_space<hbm>> -> memref<128xi32, #tpu.memory_space<hbm>>
      %dma_wait3A_24 = arith.constant 128 : i32
      %dma_wait3A_25 = tpu.memref_slice %arg6[%dma_wait3A_24] : memref<256xi32, #tpu.memory_space<vmem>> -> memref<128xi32, #tpu.memory_space<vmem>>
      %dma_wait3A_26 = tpu.memref_slice %arg3[%mul3A_2] : memref<4096xi32, #tpu.memory_space<hbm>> -> memref<128xi32, #tpu.memory_space<hbm>>
      tpu.wait_dma2 semaphore(%run_scoped3A : memref<!tpu.dma_semaphore, #tpu.memory_space<semaphore_mem>>) src(%dma_wait3A_26 : memref<128xi32, #tpu.memory_space<hbm>>) dst(%dma_wait3A_25 : memref<128xi32, #tpu.memory_space<vmem>>)
      tpu.yield
    }) : () -> ()
    %iota3A = tpu.iota {dimensions = array<i32: 0>} : vector<16xi32>
    %scan3A = arith.constant 0 : i32
    %scan3A_3 = arith.constant 0 : i32
    %scan3A_4 = arith.constant 16 : i32
    %scan3A_5 = arith.addi %scan3A_3, %scan3A_4 : i32
    %scan3A_6 = arith.constant 1 : i32
    %scan3A_7 = scf.for %scan3A_16 = %scan3A_3 to %scan3A_5 step %scan3A_6 iter_args(%scan3A_17 = %scan3A) -> (i32)  : i32 {
      %mul3A_18 = arith.constant 16 : i32
      %mul3A_19 = arith.muli %scan3A_16, %mul3A_18 : i32
      %get3A = arith.index_cast %mul3A_19 : i32 to index
      %get3A_20 = tpu.vector_load %arg6[%get3A] {strides = array<i32>} : memref<256xi32, #tpu.memory_space<vmem>>, vector<16xi32>,
      %ge3A = arith.constant 50176 : i32
      %ge3A_21 = vector.broadcast %ge3A : i32 to vector<16xi32>
      %ge3A_22 = arith.cmpi sge, %get3A_20, %ge3A_21 : vector<16xi32>
      %jit3A = arith.constant 50176 : i32
      %jit3A_23 = arith.constant 0 : i32
      %broadcast_in_dim3A = vector.broadcast %jit3A : i32 to vector<16xi32>
      %broadcast_in_dim3A_24 = vector.broadcast %jit3A_23 : i32 to vector<16xi32>
      %select_n3A = arith.select %ge3A_22, %broadcast_in_dim3A, %broadcast_in_dim3A_24 : vector<16xi1>, vector<16xi32>
      %sub3A = arith.subi %get3A_20, %select_n3A : vector<16xi32>
      %ge3A_25 = arith.constant 25088 : i32
      %ge3A_26 = vector.broadcast %ge3A_25 : i32 to vector<16xi32>
      %ge3A_27 = arith.cmpi sge, %sub3A, %ge3A_26 : vector<16xi32>
      %jit3A_28 = arith.constant 25088 : i32
      %jit3A_29 = arith.constant 0 : i32
      %broadcast_in_dim3A_30 = vector.broadcast %jit3A_28 : i32 to vector<16xi32>
      %broadcast_in_dim3A_31 = vector.broadcast %jit3A_29 : i32 to vector<16xi32>
      %select_n3A_32 = arith.select %ge3A_27, %broadcast_in_dim3A_30, %broadcast_in_dim3A_31 : vector<16xi1>, vector<16xi32>
      %sub3A_33 = arith.subi %sub3A, %select_n3A_32 : vector<16xi32>
      %eq3A = arith.constant 0 : i32
      %eq3A_34 = vector.broadcast %eq3A : i32 to vector<16xi32>
      %eq3A_35 = arith.cmpi eq, %iota3A, %eq3A_34 : vector<16xi32>
      %jit3A_36 = arith.constant 0 : i32
      %broadcast_in_dim3A_37 = vector.broadcast %jit3A_36 : i32 to vector<16xi32>
      %select_n3A_38 = arith.select %eq3A_35, %sub3A_33, %broadcast_in_dim3A_37 : vector<16xi1>, vector<16xi32>
      %reduce_sum3A = arith.constant true
      %reduce_sum3A_39 = vector.broadcast %reduce_sum3A : i1 to vector<16xi1>
      %reduce_sum3A_40 = tpu.scan <sum>, %select_n3A_38 masked %reduce_sum3A_39 : vector<16xi32>, vector<16xi1> -> vector<16xi32>
      %reduce_sum3A_41 = vector.extract %reduce_sum3A_40[15] : i32 from vector<16xi32>
      %mul3A_42 = arith.constant 16 : i32
      %mul3A_43 = arith.muli %scan3A_16, %mul3A_42 : i32
      %add3A_44 = arith.constant 0 : i32
      %add3A_45 = arith.addi %mul3A_43, %add3A_44 : i32
      %dma_start3A = arith.constant 0 : i32
      %dma_start3A_46 = tpu.memref_slice %arg7[%add3A_45, %dma_start3A] : memref<256x128xi32, #tpu.memory_space<vmem>> -> memref<1x128xi32, #tpu.memory_space<vmem>>
      %dma_start3A_47 = arith.constant 0 : i32
      %dma_start3A_48 = tpu.memref_slice %arg4[%reduce_sum3A_41, %dma_start3A_47] : memref<25088x128xi32, #tpu.memory_space<hbm>> -> memref<1x128xi32, #tpu.memory_space<hbm>>
      %dma_start3A_49 = arith.constant 0 : i32
      %dma_start3A_50 = tpu.memref_slice %arg7[%add3A_45, %dma_start3A_49] : memref<256x128xi32, #tpu.memory_space<vmem>> -> memref<1x128xi32, #tpu.memory_space<vmem>>
      %dma_start3A_51 = arith.constant 0 : i32
      %dma_start3A_52 = tpu.memref_slice %arg4[%reduce_sum3A_41, %dma_start3A_51] : memref<25088x128xi32, #tpu.memory_space<hbm>> -> memref<1x128xi32, #tpu.memory_space<hbm>>
      tpu.enqueue_dma source(%dma_start3A_52 : memref<1x128xi32, #tpu.memory_space<hbm>>) target(%dma_start3A_50 : memref<1x128xi32, #tpu.memory_space<vmem>>) target_semaphore(%arg8 : memref<!tpu.dma_semaphore, #tpu.memory_space<semaphore_mem>>)
      %eq3A_53 = arith.constant 1 : i32
      %eq3A_54 = vector.broadcast %eq3A_53 : i32 to vector<16xi32>
      %eq3A_55 = arith.cmpi eq, %iota3A, %eq3A_54 : vector<16xi32>
      %jit3A_56 = arith.constant 0 : i32
      %broadcast_in_dim3A_57 = vector.broadcast %jit3A_56 : i32 to vector<16xi32>
      %select_n3A_58 = arith.select %eq3A_55, %sub3A_33, %broadcast_in_dim3A_57 : vector<16xi1>, vector<16xi32>
      %reduce_sum3A_59 = arith.constant true
      %reduce_sum3A_60 = vector.broadcast %reduce_sum3A_59 : i1 to vector<16xi1>
      %reduce_sum3A_61 = tpu.scan <sum>, %select_n3A_58 masked %reduce_sum3A_60 : vector<16xi32>, vector<16xi1> -> vector<16xi32>
      %reduce_sum3A_62 = vector.extract %reduce_sum3A_61[15] : i32 from vector<16xi32>
      %mul3A_63 = arith.constant 16 : i32
      %mul3A_64 = arith.muli %scan3A_16, %mul3A_63 : i32
      %add3A_65 = arith.constant 1 : i32
      %add3A_66 = arith.addi %mul3A_64, %add3A_65 : i32
      %dma_start3A_67 = arith.constant 0 : i32
      %dma_start3A_68 = tpu.memref_slice %arg7[%add3A_66, %dma_start3A_67] : memref<256x128xi32, #tpu.memory_space<vmem>> -> memref<1x128xi32, #tpu.memory_space<vmem>>
      %dma_start3A_69 = arith.constant 0 : i32
      %dma_start3A_70 = tpu.memref_slice %arg4[%reduce_sum3A_62, %dma_start3A_69] : memref<25088x128xi32, #tpu.memory_space<hbm>> -> memref<1x128xi32, #tpu.memory_space<hbm>>
      %dma_start3A_71 = arith.constant 0 : i32
      %dma_start3A_72 = tpu.memref_slice %arg7[%add3A_66, %dma_start3A_71] : memref<256x128xi32, #tpu.memory_space<vmem>> -> memref<1x128xi32, #tpu.memory_space<vmem>>
      %dma_start3A_73 = arith.constant 0 : i32
      %dma_start3A_74 = tpu.memref_slice %arg4[%reduce_sum3A_62, %dma_start3A_73] : memref<25088x128xi32, #tpu.memory_space<hbm>> -> memref<1x128xi32, #tpu.memory_space<hbm>>
      tpu.enqueue_dma source(%dma_start3A_74 : memref<1x128xi32, #tpu.memory_space<hbm>>) target(%dma_start3A_72 : memref<1x128xi32, #tpu.memory_space<vmem>>) target_semaphore(%arg8 : memref<!tpu.dma_semaphore, #tpu.memory_space<semaphore_mem>>)
      %eq3A_75 = arith.constant 2 : i32
      %eq3A_76 = vector.broadcast %eq3A_75 : i32 to vector<16xi32>
      %eq3A_77 = arith.cmpi eq, %iota3A, %eq3A_76 : vector<16xi32>
      %jit3A_78 = arith.constant 0 : i32
      %broadcast_in_dim3A_79 = vector.broadcast %jit3A_78 : i32 to vector<16xi32>
      %select_n3A_80 = arith.select %eq3A_77, %sub3A_33, %broadcast_in_dim3A_79 : vector<16xi1>, vector<16xi32>
      %reduce_sum3A_81 = arith.constant true
      %reduce_sum3A_82 = vector.broadcast %reduce_sum3A_81 : i1 to vector<16xi1>
      %reduce_sum3A_83 = tpu.scan <sum>, %select_n3A_80 masked %reduce_sum3A_82 : vector<16xi32>, vector<16xi1> -> vector<16xi32>
      %reduce_sum3A_84 = vector.extract %reduce_sum3A_83[15] : i32 from vector<16xi32>
      %mul3A_85 = arith.constant 16 : i32
      %mul3A_86 = arith.muli %scan3A_16, %mul3A_85 : i32
      %add3A_87 = arith.constant 2 : i32
      %add3A_88 = arith.addi %mul3A_86, %add3A_87 : i32
      %dma_start3A_89 = arith.constant 0 : i32
      %dma_start3A_90 = tpu.memref_slice %arg7[%add3A_88, %dma_start3A_89] : memref<256x128xi32, #tpu.memory_space<vmem>> -> memref<1x128xi32, #tpu.memory_space<vmem>>
      %dma_start3A_91 = arith.constant 0 : i32
      %dma_start3A_92 = tpu.memref_slice %arg4[%reduce_sum3A_84, %dma_start3A_91] : memref<25088x128xi32, #tpu.memory_space<hbm>> -> memref<1x128xi32, #tpu.memory_space<hbm>>
      %dma_start3A_93 = arith.constant 0 : i32
      %dma_start3A_94 = tpu.memref_slice %arg7[%add3A_88, %dma_start3A_93] : memref<256x128xi32, #tpu.memory_space<vmem>> -> memref<1x128xi32, #tpu.memory_space<vmem>>
      %dma_start3A_95 = arith.constant 0 : i32
      %dma_start3A_96 = tpu.memref_slice %arg4[%reduce_sum3A_84, %dma_start3A_95] : memref<25088x128xi32, #tpu.memory_space<hbm>> -> memref<1x128xi32, #tpu.memory_space<hbm>>
      tpu.enqueue_dma source(%dma_start3A_96 : memref<1x128xi32, #tpu.memory_space<hbm>>) target(%dma_start3A_94 : memref<1x128xi32, #tpu.memory_space<vmem>>) target_semaphore(%arg8 : memref<!tpu.dma_semaphore, #tpu.memory_space<semaphore_mem>>)
      %eq3A_97 = arith.constant 3 : i32
      %eq3A_98 = vector.broadcast %eq3A_97 : i32 to vector<16xi32>
      %eq3A_99 = arith.cmpi eq, %iota3A, %eq3A_98 : vector<16xi32>
      %jit3A_100 = arith.constant 0 : i32
      %broadcast_in_dim3A_101 = vector.broadcast %jit3A_100 : i32 to vector<16xi32>
      %select_n3A_102 = arith.select %eq3A_99, %sub3A_33, %broadcast_in_dim3A_101 : vector<16xi1>, vector<16xi32>
      %reduce_sum3A_103 = arith.constant true
      %reduce_sum3A_104 = vector.broadcast %reduce_sum3A_103 : i1 to vector<16xi1>
      %reduce_sum3A_105 = tpu.scan <sum>, %select_n3A_102 masked %reduce_sum3A_104 : vector<16xi32>, vector<16xi1> -> vector<16xi32>
      %reduce_sum3A_106 = vector.extract %reduce_sum3A_105[15] : i32 from vector<16xi32>
      %mul3A_107 = arith.constant 16 : i32
      %mul3A_108 = arith.muli %scan3A_16, %mul3A_107 : i32
      %add3A_109 = arith.constant 3 : i32
      %add3A_110 = arith.addi %mul3A_108, %add3A_109 : i32
      %dma_start3A_111 = arith.constant 0 : i32
      %dma_start3A_112 = tpu.memref_slice %arg7[%add3A_110, %dma_start3A_111] : memref<256x128xi32, #tpu.memory_space<vmem>> -> memref<1x128xi32, #tpu.memory_space<vmem>>
      %dma_start3A_113 = arith.constant 0 : i32
      %dma_start3A_114 = tpu.memref_slice %arg4[%reduce_sum3A_106, %dma_start3A_113] : memref<25088x128xi32, #tpu.memory_space<hbm>> -> memref<1x128xi32, #tpu.memory_space<hbm>>
      %dma_start3A_115 = arith.constant 0 : i32
      %dma_start3A_116 = tpu.memref_slice %arg7[%add3A_110, %dma_start3A_115] : memref<256x128xi32, #tpu.memory_space<vmem>> -> memref<1x128xi32, #tpu.memory_space<vmem>>
      %dma_start3A_117 = arith.constant 0 : i32
      %dma_start3A_118 = tpu.memref_slice %arg4[%reduce_sum3A_106, %dma_start3A_117] : memref<25088x128xi32, #tpu.memory_space<hbm>> -> memref<1x128xi32, #tpu.memory_space<hbm>>
      tpu.enqueue_dma source(%dma_start3A_118 : memref<1x128xi32, #tpu.memory_space<hbm>>) target(%dma_start3A_116 : memref<1x128xi32, #tpu.memory_space<vmem>>) target_semaphore(%arg8 : memref<!tpu.dma_semaphore, #tpu.memory_space<semaphore_mem>>)
      %eq3A_119 = arith.constant 4 : i32
      %eq3A_120 = vector.broadcast %eq3A_119 : i32 to vector<16xi32>
      %eq3A_121 = arith.cmpi eq, %iota3A, %eq3A_120 : vector<16xi32>
      %jit3A_122 = arith.constant 0 : i32
      %broadcast_in_dim3A_123 = vector.broadcast %jit3A_122 : i32 to vector<16xi32>
      %select_n3A_124 = arith.select %eq3A_121, %sub3A_33, %broadcast_in_dim3A_123 : vector<16xi1>, vector<16xi32>
      %reduce_sum3A_125 = arith.constant true
      %reduce_sum3A_126 = vector.broadcast %reduce_sum3A_125 : i1 to vector<16xi1>
      %reduce_sum3A_127 = tpu.scan <sum>, %select_n3A_124 masked %reduce_sum3A_126 : vector<16xi32>, vector<16xi1> -> vector<16xi32>
      %reduce_sum3A_128 = vector.extract %reduce_sum3A_127[15] : i32 from vector<16xi32>
      %mul3A_129 = arith.constant 16 : i32
      %mul3A_130 = arith.muli %scan3A_16, %mul3A_129 : i32
      %add3A_131 = arith.constant 4 : i32
      %add3A_132 = arith.addi %mul3A_130, %add3A_131 : i32
      %dma_start3A_133 = arith.constant 0 : i32
      %dma_start3A_134 = tpu.memref_slice %arg7[%add3A_132, %dma_start3A_133] : memref<256x128xi32, #tpu.memory_space<vmem>> -> memref<1x128xi32, #tpu.memory_space<vmem>>
      %dma_start3A_135 = arith.constant 0 : i32
      %dma_start3A_136 = tpu.memref_slice %arg4[%reduce_sum3A_128, %dma_start3A_135] : memref<25088x128xi32, #tpu.memory_space<hbm>> -> memref<1x128xi32, #tpu.memory_space<hbm>>
      %dma_start3A_137 = arith.constant 0 : i32
      %dma_start3A_138 = tpu.memref_slice %arg7[%add3A_132, %dma_start3A_137] : memref<256x128xi32, #tpu.memory_space<vmem>> -> memref<1x128xi32, #tpu.memory_space<vmem>>
      %dma_start3A_139 = arith.constant 0 : i32
      %dma_start3A_140 = tpu.memref_slice %arg4[%reduce_sum3A_128, %dma_start3A_139] : memref<25088x128xi32, #tpu.memory_space<hbm>> -> memref<1x128xi32, #tpu.memory_space<hbm>>
      tpu.enqueue_dma source(%dma_start3A_140 : memref<1x128xi32, #tpu.memory_space<hbm>>) target(%dma_start3A_138 : memref<1x128xi32, #tpu.memory_space<vmem>>) target_semaphore(%arg8 : memref<!tpu.dma_semaphore, #tpu.memory_space<semaphore_mem>>)
      %eq3A_141 = arith.constant 5 : i32
      %eq3A_142 = vector.broadcast %eq3A_141 : i32 to vector<16xi32>
      %eq3A_143 = arith.cmpi eq, %iota3A, %eq3A_142 : vector<16xi32>
      %jit3A_144 = arith.constant 0 : i32
      %broadcast_in_dim3A_145 = vector.broadcast %jit3A_144 : i32 to vector<16xi32>
      %select_n3A_146 = arith.select %eq3A_143, %sub3A_33, %broadcast_in_dim3A_145 : vector<16xi1>, vector<16xi32>
      %reduce_sum3A_147 = arith.constant true
      %reduce_sum3A_148 = vector.broadcast %reduce_sum3A_147 : i1 to vector<16xi1>
      %reduce_sum3A_149 = tpu.scan <sum>, %select_n3A_146 masked %reduce_sum3A_148 : vector<16xi32>, vector<16xi1> -> vector<16xi32>
      %reduce_sum3A_150 = vector.extract %reduce_sum3A_149[15] : i32 from vector<16xi32>
      %mul3A_151 = arith.constant 16 : i32
      %mul3A_152 = arith.muli %scan3A_16, %mul3A_151 : i32
      %add3A_153 = arith.constant 5 : i32
      %add3A_154 = arith.addi %mul3A_152, %add3A_153 : i32
      %dma_start3A_155 = arith.constant 0 : i32
      %dma_start3A_156 = tpu.memref_slice %arg7[%add3A_154, %dma_start3A_155] : memref<256x128xi32, #tpu.memory_space<vmem>> -> memref<1x128xi32, #tpu.memory_space<vmem>>
      %dma_start3A_157 = arith.constant 0 : i32
      %dma_start3A_158 = tpu.memref_slice %arg4[%reduce_sum3A_150, %dma_start3A_157] : memref<25088x128xi32, #tpu.memory_space<hbm>> -> memref<1x128xi32, #tpu.memory_space<hbm>>
      %dma_start3A_159 = arith.constant 0 : i32
      %dma_start3A_160 = tpu.memref_slice %arg7[%add3A_154, %dma_start3A_159] : memref<256x128xi32, #tpu.memory_space<vmem>> -> memref<1x128xi32, #tpu.memory_space<vmem>>
      %dma_start3A_161 = arith.constant 0 : i32
      %dma_start3A_162 = tpu.memref_slice %arg4[%reduce_sum3A_150, %dma_start3A_161] : memref<25088x128xi32, #tpu.memory_space<hbm>> -> memref<1x128xi32, #tpu.memory_space<hbm>>
      tpu.enqueue_dma source(%dma_start3A_162 : memref<1x128xi32, #tpu.memory_space<hbm>>) target(%dma_start3A_160 : memref<1x128xi32, #tpu.memory_space<vmem>>) target_semaphore(%arg8 : memref<!tpu.dma_semaphore, #tpu.memory_space<semaphore_mem>>)
      %eq3A_163 = arith.constant 6 : i32
      %eq3A_164 = vector.broadcast %eq3A_163 : i32 to vector<16xi32>
      %eq3A_165 = arith.cmpi eq, %iota3A, %eq3A_164 : vector<16xi32>
      %jit3A_166 = arith.constant 0 : i32
      %broadcast_in_dim3A_167 = vector.broadcast %jit3A_166 : i32 to vector<16xi32>
      %select_n3A_168 = arith.select %eq3A_165, %sub3A_33, %broadcast_in_dim3A_167 : vector<16xi1>, vector<16xi32>
      %reduce_sum3A_169 = arith.constant true
      %reduce_sum3A_170 = vector.broadcast %reduce_sum3A_169 : i1 to vector<16xi1>
      %reduce_sum3A_171 = tpu.scan <sum>, %select_n3A_168 masked %reduce_sum3A_170 : vector<16xi32>, vector<16xi1> -> vector<16xi32>
      %reduce_sum3A_172 = vector.extract %reduce_sum3A_171[15] : i32 from vector<16xi32>
      %mul3A_173 = arith.constant 16 : i32
      %mul3A_174 = arith.muli %scan3A_16, %mul3A_173 : i32
      %add3A_175 = arith.constant 6 : i32
      %add3A_176 = arith.addi %mul3A_174, %add3A_175 : i32
      %dma_start3A_177 = arith.constant 0 : i32
      %dma_start3A_178 = tpu.memref_slice %arg7[%add3A_176, %dma_start3A_177] : memref<256x128xi32, #tpu.memory_space<vmem>> -> memref<1x128xi32, #tpu.memory_space<vmem>>
      %dma_start3A_179 = arith.constant 0 : i32
      %dma_start3A_180 = tpu.memref_slice %arg4[%reduce_sum3A_172, %dma_start3A_179] : memref<25088x128xi32, #tpu.memory_space<hbm>> -> memref<1x128xi32, #tpu.memory_space<hbm>>
      %dma_start3A_181 = arith.constant 0 : i32
      %dma_start3A_182 = tpu.memref_slice %arg7[%add3A_176, %dma_start3A_181] : memref<256x128xi32, #tpu.memory_space<vmem>> -> memref<1x128xi32, #tpu.memory_space<vmem>>
      %dma_start3A_183 = arith.constant 0 : i32
      %dma_start3A_184 = tpu.memref_slice %arg4[%reduce_sum3A_172, %dma_start3A_183] : memref<25088x128xi32, #tpu.memory_space<hbm>> -> memref<1x128xi32, #tpu.memory_space<hbm>>
      tpu.enqueue_dma source(%dma_start3A_184 : memref<1x128xi32, #tpu.memory_space<hbm>>) target(%dma_start3A_182 : memref<1x128xi32, #tpu.memory_space<vmem>>) target_semaphore(%arg8 : memref<!tpu.dma_semaphore, #tpu.memory_space<semaphore_mem>>)
      %eq3A_185 = arith.constant 7 : i32
      %eq3A_186 = vector.broadcast %eq3A_185 : i32 to vector<16xi32>
      %eq3A_187 = arith.cmpi eq, %iota3A, %eq3A_186 : vector<16xi32>
      %jit3A_188 = arith.constant 0 : i32
      %broadcast_in_dim3A_189 = vector.broadcast %jit3A_188 : i32 to vector<16xi32>
      %select_n3A_190 = arith.select %eq3A_187, %sub3A_33, %broadcast_in_dim3A_189 : vector<16xi1>, vector<16xi32>
      %reduce_sum3A_191 = arith.constant true
      %reduce_sum3A_192 = vector.broadcast %reduce_sum3A_191 : i1 to vector<16xi1>
      %reduce_sum3A_193 = tpu.scan <sum>, %select_n3A_190 masked %reduce_sum3A_192 : vector<16xi32>, vector<16xi1> -> vector<16xi32>
      %reduce_sum3A_194 = vector.extract %reduce_sum3A_193[15] : i32 from vector<16xi32>
      %mul3A_195 = arith.constant 16 : i32
      %mul3A_196 = arith.muli %scan3A_16, %mul3A_195 : i32
      %add3A_197 = arith.constant 7 : i32
      %add3A_198 = arith.addi %mul3A_196, %add3A_197 : i32
      %dma_start3A_199 = arith.constant 0 : i32
      %dma_start3A_200 = tpu.memref_slice %arg7[%add3A_198, %dma_start3A_199] : memref<256x128xi32, #tpu.memory_space<vmem>> -> memref<1x128xi32, #tpu.memory_space<vmem>>
      %dma_start3A_201 = arith.constant 0 : i32
      %dma_start3A_202 = tpu.memref_slice %arg4[%reduce_sum3A_194, %dma_start3A_201] : memref<25088x128xi32, #tpu.memory_space<hbm>> -> memref<1x128xi32, #tpu.memory_space<hbm>>
      %dma_start3A_203 = arith.constant 0 : i32
      %dma_start3A_204 = tpu.memref_slice %arg7[%add3A_198, %dma_start3A_203] : memref<256x128xi32, #tpu.memory_space<vmem>> -> memref<1x128xi32, #tpu.memory_space<vmem>>
      %dma_start3A_205 = arith.constant 0 : i32
      %dma_start3A_206 = tpu.memref_slice %arg4[%reduce_sum3A_194, %dma_start3A_205] : memref<25088x128xi32, #tpu.memory_space<hbm>> -> memref<1x128xi32, #tpu.memory_space<hbm>>
      tpu.enqueue_dma source(%dma_start3A_206 : memref<1x128xi32, #tpu.memory_space<hbm>>) target(%dma_start3A_204 : memref<1x128xi32, #tpu.memory_space<vmem>>) target_semaphore(%arg8 : memref<!tpu.dma_semaphore, #tpu.memory_space<semaphore_mem>>)
      %eq3A_207 = arith.constant 8 : i32
      %eq3A_208 = vector.broadcast %eq3A_207 : i32 to vector<16xi32>
      %eq3A_209 = arith.cmpi eq, %iota3A, %eq3A_208 : vector<16xi32>
      %jit3A_210 = arith.constant 0 : i32
      %broadcast_in_dim3A_211 = vector.broadcast %jit3A_210 : i32 to vector<16xi32>
      %select_n3A_212 = arith.select %eq3A_209, %sub3A_33, %broadcast_in_dim3A_211 : vector<16xi1>, vector<16xi32>
      %reduce_sum3A_213 = arith.constant true
      %reduce_sum3A_214 = vector.broadcast %reduce_sum3A_213 : i1 to vector<16xi1>
      %reduce_sum3A_215 = tpu.scan <sum>, %select_n3A_212 masked %reduce_sum3A_214 : vector<16xi32>, vector<16xi1> -> vector<16xi32>
      %reduce_sum3A_216 = vector.extract %reduce_sum3A_215[15] : i32 from vector<16xi32>
      %mul3A_217 = arith.constant 16 : i32
      %mul3A_218 = arith.muli %scan3A_16, %mul3A_217 : i32
      %add3A_219 = arith.constant 8 : i32
      %add3A_220 = arith.addi %mul3A_218, %add3A_219 : i32
      %dma_start3A_221 = arith.constant 0 : i32
      %dma_start3A_222 = tpu.memref_slice %arg7[%add3A_220, %dma_start3A_221] : memref<256x128xi32, #tpu.memory_space<vmem>> -> memref<1x128xi32, #tpu.memory_space<vmem>>
      %dma_start3A_223 = arith.constant 0 : i32
      %dma_start3A_224 = tpu.memref_slice %arg4[%reduce_sum3A_216, %dma_start3A_223] : memref<25088x128xi32, #tpu.memory_space<hbm>> -> memref<1x128xi32, #tpu.memory_space<hbm>>
      %dma_start3A_225 = arith.constant 0 : i32
      %dma_start3A_226 = tpu.memref_slice %arg7[%add3A_220, %dma_start3A_225] : memref<256x128xi32, #tpu.memory_space<vmem>> -> memref<1x128xi32, #tpu.memory_space<vmem>>
      %dma_start3A_227 = arith.constant 0 : i32
      %dma_start3A_228 = tpu.memref_slice %arg4[%reduce_sum3A_216, %dma_start3A_227] : memref<25088x128xi32, #tpu.memory_space<hbm>> -> memref<1x128xi32, #tpu.memory_space<hbm>>
      tpu.enqueue_dma source(%dma_start3A_228 : memref<1x128xi32, #tpu.memory_space<hbm>>) target(%dma_start3A_226 : memref<1x128xi32, #tpu.memory_space<vmem>>) target_semaphore(%arg8 : memref<!tpu.dma_semaphore, #tpu.memory_space<semaphore_mem>>)
      %eq3A_229 = arith.constant 9 : i32
      %eq3A_230 = vector.broadcast %eq3A_229 : i32 to vector<16xi32>
      %eq3A_231 = arith.cmpi eq, %iota3A, %eq3A_230 : vector<16xi32>
      %jit3A_232 = arith.constant 0 : i32
      %broadcast_in_dim3A_233 = vector.broadcast %jit3A_232 : i32 to vector<16xi32>
      %select_n3A_234 = arith.select %eq3A_231, %sub3A_33, %broadcast_in_dim3A_233 : vector<16xi1>, vector<16xi32>
      %reduce_sum3A_235 = arith.constant true
      %reduce_sum3A_236 = vector.broadcast %reduce_sum3A_235 : i1 to vector<16xi1>
      %reduce_sum3A_237 = tpu.scan <sum>, %select_n3A_234 masked %reduce_sum3A_236 : vector<16xi32>, vector<16xi1> -> vector<16xi32>
      %reduce_sum3A_238 = vector.extract %reduce_sum3A_237[15] : i32 from vector<16xi32>
      %mul3A_239 = arith.constant 16 : i32
      %mul3A_240 = arith.muli %scan3A_16, %mul3A_239 : i32
      %add3A_241 = arith.constant 9 : i32
      %add3A_242 = arith.addi %mul3A_240, %add3A_241 : i32
      %dma_start3A_243 = arith.constant 0 : i32
      %dma_start3A_244 = tpu.memref_slice %arg7[%add3A_242, %dma_start3A_243] : memref<256x128xi32, #tpu.memory_space<vmem>> -> memref<1x128xi32, #tpu.memory_space<vmem>>
      %dma_start3A_245 = arith.constant 0 : i32
      %dma_start3A_246 = tpu.memref_slice %arg4[%reduce_sum3A_238, %dma_start3A_245] : memref<25088x128xi32, #tpu.memory_space<hbm>> -> memref<1x128xi32, #tpu.memory_space<hbm>>
      %dma_start3A_247 = arith.constant 0 : i32
      %dma_start3A_248 = tpu.memref_slice %arg7[%add3A_242, %dma_start3A_247] : memref<256x128xi32, #tpu.memory_space<vmem>> -> memref<1x128xi32, #tpu.memory_space<vmem>>
      %dma_start3A_249 = arith.constant 0 : i32
      %dma_start3A_250 = tpu.memref_slice %arg4[%reduce_sum3A_238, %dma_start3A_249] : memref<25088x128xi32, #tpu.memory_space<hbm>> -> memref<1x128xi32, #tpu.memory_space<hbm>>
      tpu.enqueue_dma source(%dma_start3A_250 : memref<1x128xi32, #tpu.memory_space<hbm>>) target(%dma_start3A_248 : memref<1x128xi32, #tpu.memory_space<vmem>>) target_semaphore(%arg8 : memref<!tpu.dma_semaphore, #tpu.memory_space<semaphore_mem>>)
      %eq3A_251 = arith.constant 10 : i32
      %eq3A_252 = vector.broadcast %eq3A_251 : i32 to vector<16xi32>
      %eq3A_253 = arith.cmpi eq, %iota3A, %eq3A_252 : vector<16xi32>
      %jit3A_254 = arith.constant 0 : i32
      %broadcast_in_dim3A_255 = vector.broadcast %jit3A_254 : i32 to vector<16xi32>
      %select_n3A_256 = arith.select %eq3A_253, %sub3A_33, %broadcast_in_dim3A_255 : vector<16xi1>, vector<16xi32>
      %reduce_sum3A_257 = arith.constant true
      %reduce_sum3A_258 = vector.broadcast %reduce_sum3A_257 : i1 to vector<16xi1>
      %reduce_sum3A_259 = tpu.scan <sum>, %select_n3A_256 masked %reduce_sum3A_258 : vector<16xi32>, vector<16xi1> -> vector<16xi32>
      %reduce_sum3A_260 = vector.extract %reduce_sum3A_259[15] : i32 from vector<16xi32>
      %mul3A_261 = arith.constant 16 : i32
      %mul3A_262 = arith.muli %scan3A_16, %mul3A_261 : i32
      %add3A_263 = arith.constant 10 : i32
      %add3A_264 = arith.addi %mul3A_262, %add3A_263 : i32
      %dma_start3A_265 = arith.constant 0 : i32
      %dma_start3A_266 = tpu.memref_slice %arg7[%add3A_264, %dma_start3A_265] : memref<256x128xi32, #tpu.memory_space<vmem>> -> memref<1x128xi32, #tpu.memory_space<vmem>>
      %dma_start3A_267 = arith.constant 0 : i32
      %dma_start3A_268 = tpu.memref_slice %arg4[%reduce_sum3A_260, %dma_start3A_267] : memref<25088x128xi32, #tpu.memory_space<hbm>> -> memref<1x128xi32, #tpu.memory_space<hbm>>
      %dma_start3A_269 = arith.constant 0 : i32
      %dma_start3A_270 = tpu.memref_slice %arg7[%add3A_264, %dma_start3A_269] : memref<256x128xi32, #tpu.memory_space<vmem>> -> memref<1x128xi32, #tpu.memory_space<vmem>>
      %dma_start3A_271 = arith.constant 0 : i32
      %dma_start3A_272 = tpu.memref_slice %arg4[%reduce_sum3A_260, %dma_start3A_271] : memref<25088x128xi32, #tpu.memory_space<hbm>> -> memref<1x128xi32, #tpu.memory_space<hbm>>
      tpu.enqueue_dma source(%dma_start3A_272 : memref<1x128xi32, #tpu.memory_space<hbm>>) target(%dma_start3A_270 : memref<1x128xi32, #tpu.memory_space<vmem>>) target_semaphore(%arg8 : memref<!tpu.dma_semaphore, #tpu.memory_space<semaphore_mem>>)
      %eq3A_273 = arith.constant 11 : i32
      %eq3A_274 = vector.broadcast %eq3A_273 : i32 to vector<16xi32>
      %eq3A_275 = arith.cmpi eq, %iota3A, %eq3A_274 : vector<16xi32>
      %jit3A_276 = arith.constant 0 : i32
      %broadcast_in_dim3A_277 = vector.broadcast %jit3A_276 : i32 to vector<16xi32>
      %select_n3A_278 = arith.select %eq3A_275, %sub3A_33, %broadcast_in_dim3A_277 : vector<16xi1>, vector<16xi32>
      %reduce_sum3A_279 = arith.constant true
      %reduce_sum3A_280 = vector.broadcast %reduce_sum3A_279 : i1 to vector<16xi1>
      %reduce_sum3A_281 = tpu.scan <sum>, %select_n3A_278 masked %reduce_sum3A_280 : vector<16xi32>, vector<16xi1> -> vector<16xi32>
      %reduce_sum3A_282 = vector.extract %reduce_sum3A_281[15] : i32 from vector<16xi32>
      %mul3A_283 = arith.constant 16 : i32
      %mul3A_284 = arith.muli %scan3A_16, %mul3A_283 : i32
      %add3A_285 = arith.constant 11 : i32
      %add3A_286 = arith.addi %mul3A_284, %add3A_285 : i32
      %dma_start3A_287 = arith.constant 0 : i32
      %dma_start3A_288 = tpu.memref_slice %arg7[%add3A_286, %dma_start3A_287] : memref<256x128xi32, #tpu.memory_space<vmem>> -> memref<1x128xi32, #tpu.memory_space<vmem>>
      %dma_start3A_289 = arith.constant 0 : i32
      %dma_start3A_290 = tpu.memref_slice %arg4[%reduce_sum3A_282, %dma_start3A_289] : memref<25088x128xi32, #tpu.memory_space<hbm>> -> memref<1x128xi32, #tpu.memory_space<hbm>>
      %dma_start3A_291 = arith.constant 0 : i32
      %dma_start3A_292 = tpu.memref_slice %arg7[%add3A_286, %dma_start3A_291] : memref<256x128xi32, #tpu.memory_space<vmem>> -> memref<1x128xi32, #tpu.memory_space<vmem>>
      %dma_start3A_293 = arith.constant 0 : i32
      %dma_start3A_294 = tpu.memref_slice %arg4[%reduce_sum3A_282, %dma_start3A_293] : memref<25088x128xi32, #tpu.memory_space<hbm>> -> memref<1x128xi32, #tpu.memory_space<hbm>>
      tpu.enqueue_dma source(%dma_start3A_294 : memref<1x128xi32, #tpu.memory_space<hbm>>) target(%dma_start3A_292 : memref<1x128xi32, #tpu.memory_space<vmem>>) target_semaphore(%arg8 : memref<!tpu.dma_semaphore, #tpu.memory_space<semaphore_mem>>)
      %eq3A_295 = arith.constant 12 : i32
      %eq3A_296 = vector.broadcast %eq3A_295 : i32 to vector<16xi32>
      %eq3A_297 = arith.cmpi eq, %iota3A, %eq3A_296 : vector<16xi32>
      %jit3A_298 = arith.constant 0 : i32
      %broadcast_in_dim3A_299 = vector.broadcast %jit3A_298 : i32 to vector<16xi32>
      %select_n3A_300 = arith.select %eq3A_297, %sub3A_33, %broadcast_in_dim3A_299 : vector<16xi1>, vector<16xi32>
      %reduce_sum3A_301 = arith.constant true
      %reduce_sum3A_302 = vector.broadcast %reduce_sum3A_301 : i1 to vector<16xi1>
      %reduce_sum3A_303 = tpu.scan <sum>, %select_n3A_300 masked %reduce_sum3A_302 : vector<16xi32>, vector<16xi1> -> vector<16xi32>
      %reduce_sum3A_304 = vector.extract %reduce_sum3A_303[15] : i32 from vector<16xi32>
      %mul3A_305 = arith.constant 16 : i32
      %mul3A_306 = arith.muli %scan3A_16, %mul3A_305 : i32
      %add3A_307 = arith.constant 12 : i32
      %add3A_308 = arith.addi %mul3A_306, %add3A_307 : i32
      %dma_start3A_309 = arith.constant 0 : i32
      %dma_start3A_310 = tpu.memref_slice %arg7[%add3A_308, %dma_start3A_309] : memref<256x128xi32, #tpu.memory_space<vmem>> -> memref<1x128xi32, #tpu.memory_space<vmem>>
      %dma_start3A_311 = arith.constant 0 : i32
      %dma_start3A_312 = tpu.memref_slice %arg4[%reduce_sum3A_304, %dma_start3A_311] : memref<25088x128xi32, #tpu.memory_space<hbm>> -> memref<1x128xi32, #tpu.memory_space<hbm>>
      %dma_start3A_313 = arith.constant 0 : i32
      %dma_start3A_314 = tpu.memref_slice %arg7[%add3A_308, %dma_start3A_313] : memref<256x128xi32, #tpu.memory_space<vmem>> -> memref<1x128xi32, #tpu.memory_space<vmem>>
      %dma_start3A_315 = arith.constant 0 : i32
      %dma_start3A_316 = tpu.memref_slice %arg4[%reduce_sum3A_304, %dma_start3A_315] : memref<25088x128xi32, #tpu.memory_space<hbm>> -> memref<1x128xi32, #tpu.memory_space<hbm>>
      tpu.enqueue_dma source(%dma_start3A_316 : memref<1x128xi32, #tpu.memory_space<hbm>>) target(%dma_start3A_314 : memref<1x128xi32, #tpu.memory_space<vmem>>) target_semaphore(%arg8 : memref<!tpu.dma_semaphore, #tpu.memory_space<semaphore_mem>>)
      %eq3A_317 = arith.constant 13 : i32
      %eq3A_318 = vector.broadcast %eq3A_317 : i32 to vector<16xi32>
      %eq3A_319 = arith.cmpi eq, %iota3A, %eq3A_318 : vector<16xi32>
      %jit3A_320 = arith.constant 0 : i32
      %broadcast_in_dim3A_321 = vector.broadcast %jit3A_320 : i32 to vector<16xi32>
      %select_n3A_322 = arith.select %eq3A_319, %sub3A_33, %broadcast_in_dim3A_321 : vector<16xi1>, vector<16xi32>
      %reduce_sum3A_323 = arith.constant true
      %reduce_sum3A_324 = vector.broadcast %reduce_sum3A_323 : i1 to vector<16xi1>
      %reduce_sum3A_325 = tpu.scan <sum>, %select_n3A_322 masked %reduce_sum3A_324 : vector<16xi32>, vector<16xi1> -> vector<16xi32>
      %reduce_sum3A_326 = vector.extract %reduce_sum3A_325[15] : i32 from vector<16xi32>
      %mul3A_327 = arith.constant 16 : i32
      %mul3A_328 = arith.muli %scan3A_16, %mul3A_327 : i32
      %add3A_329 = arith.constant 13 : i32
      %add3A_330 = arith.addi %mul3A_328, %add3A_329 : i32
      %dma_start3A_331 = arith.constant 0 : i32
      %dma_start3A_332 = tpu.memref_slice %arg7[%add3A_330, %dma_start3A_331] : memref<256x128xi32, #tpu.memory_space<vmem>> -> memref<1x128xi32, #tpu.memory_space<vmem>>
      %dma_start3A_333 = arith.constant 0 : i32
      %dma_start3A_334 = tpu.memref_slice %arg4[%reduce_sum3A_326, %dma_start3A_333] : memref<25088x128xi32, #tpu.memory_space<hbm>> -> memref<1x128xi32, #tpu.memory_space<hbm>>
      %dma_start3A_335 = arith.constant 0 : i32
      %dma_start3A_336 = tpu.memref_slice %arg7[%add3A_330, %dma_start3A_335] : memref<256x128xi32, #tpu.memory_space<vmem>> -> memref<1x128xi32, #tpu.memory_space<vmem>>
      %dma_start3A_337 = arith.constant 0 : i32
      %dma_start3A_338 = tpu.memref_slice %arg4[%reduce_sum3A_326, %dma_start3A_337] : memref<25088x128xi32, #tpu.memory_space<hbm>> -> memref<1x128xi32, #tpu.memory_space<hbm>>
      tpu.enqueue_dma source(%dma_start3A_338 : memref<1x128xi32, #tpu.memory_space<hbm>>) target(%dma_start3A_336 : memref<1x128xi32, #tpu.memory_space<vmem>>) target_semaphore(%arg8 : memref<!tpu.dma_semaphore, #tpu.memory_space<semaphore_mem>>)
      %eq3A_339 = arith.constant 14 : i32
      %eq3A_340 = vector.broadcast %eq3A_339 : i32 to vector<16xi32>
      %eq3A_341 = arith.cmpi eq, %iota3A, %eq3A_340 : vector<16xi32>
      %jit3A_342 = arith.constant 0 : i32
      %broadcast_in_dim3A_343 = vector.broadcast %jit3A_342 : i32 to vector<16xi32>
      %select_n3A_344 = arith.select %eq3A_341, %sub3A_33, %broadcast_in_dim3A_343 : vector<16xi1>, vector<16xi32>
      %reduce_sum3A_345 = arith.constant true
      %reduce_sum3A_346 = vector.broadcast %reduce_sum3A_345 : i1 to vector<16xi1>
      %reduce_sum3A_347 = tpu.scan <sum>, %select_n3A_344 masked %reduce_sum3A_346 : vector<16xi32>, vector<16xi1> -> vector<16xi32>
      %reduce_sum3A_348 = vector.extract %reduce_sum3A_347[15] : i32 from vector<16xi32>
      %mul3A_349 = arith.constant 16 : i32
      %mul3A_350 = arith.muli %scan3A_16, %mul3A_349 : i32
      %add3A_351 = arith.constant 14 : i32
      %add3A_352 = arith.addi %mul3A_350, %add3A_351 : i32
      %dma_start3A_353 = arith.constant 0 : i32
      %dma_start3A_354 = tpu.memref_slice %arg7[%add3A_352, %dma_start3A_353] : memref<256x128xi32, #tpu.memory_space<vmem>> -> memref<1x128xi32, #tpu.memory_space<vmem>>
      %dma_start3A_355 = arith.constant 0 : i32
      %dma_start3A_356 = tpu.memref_slice %arg4[%reduce_sum3A_348, %dma_start3A_355] : memref<25088x128xi32, #tpu.memory_space<hbm>> -> memref<1x128xi32, #tpu.memory_space<hbm>>
      %dma_start3A_357 = arith.constant 0 : i32
      %dma_start3A_358 = tpu.memref_slice %arg7[%add3A_352, %dma_start3A_357] : memref<256x128xi32, #tpu.memory_space<vmem>> -> memref<1x128xi32, #tpu.memory_space<vmem>>
      %dma_start3A_359 = arith.constant 0 : i32
      %dma_start3A_360 = tpu.memref_slice %arg4[%reduce_sum3A_348, %dma_start3A_359] : memref<25088x128xi32, #tpu.memory_space<hbm>> -> memref<1x128xi32, #tpu.memory_space<hbm>>
      tpu.enqueue_dma source(%dma_start3A_360 : memref<1x128xi32, #tpu.memory_space<hbm>>) target(%dma_start3A_358 : memref<1x128xi32, #tpu.memory_space<vmem>>) target_semaphore(%arg8 : memref<!tpu.dma_semaphore, #tpu.memory_space<semaphore_mem>>)
      %eq3A_361 = arith.constant 15 : i32
      %eq3A_362 = vector.broadcast %eq3A_361 : i32 to vector<16xi32>
      %eq3A_363 = arith.cmpi eq, %iota3A, %eq3A_362 : vector<16xi32>
      %jit3A_364 = arith.constant 0 : i32
      %broadcast_in_dim3A_365 = vector.broadcast %jit3A_364 : i32 to vector<16xi32>
      %select_n3A_366 = arith.select %eq3A_363, %sub3A_33, %broadcast_in_dim3A_365 : vector<16xi1>, vector<16xi32>
      %reduce_sum3A_367 = arith.constant true
      %reduce_sum3A_368 = vector.broadcast %reduce_sum3A_367 : i1 to vector<16xi1>
      %reduce_sum3A_369 = tpu.scan <sum>, %select_n3A_366 masked %reduce_sum3A_368 : vector<16xi32>, vector<16xi1> -> vector<16xi32>
      %reduce_sum3A_370 = vector.extract %reduce_sum3A_369[15] : i32 from vector<16xi32>
      %mul3A_371 = arith.constant 16 : i32
      %mul3A_372 = arith.muli %scan3A_16, %mul3A_371 : i32
      %add3A_373 = arith.constant 15 : i32
      %add3A_374 = arith.addi %mul3A_372, %add3A_373 : i32
      %dma_start3A_375 = arith.constant 0 : i32
      %dma_start3A_376 = tpu.memref_slice %arg7[%add3A_374, %dma_start3A_375] : memref<256x128xi32, #tpu.memory_space<vmem>> -> memref<1x128xi32, #tpu.memory_space<vmem>>
      %dma_start3A_377 = arith.constant 0 : i32
      %dma_start3A_378 = tpu.memref_slice %arg4[%reduce_sum3A_370, %dma_start3A_377] : memref<25088x128xi32, #tpu.memory_space<hbm>> -> memref<1x128xi32, #tpu.memory_space<hbm>>
      %dma_start3A_379 = arith.constant 0 : i32
      %dma_start3A_380 = tpu.memref_slice %arg7[%add3A_374, %dma_start3A_379] : memref<256x128xi32, #tpu.memory_space<vmem>> -> memref<1x128xi32, #tpu.memory_space<vmem>>
      %dma_start3A_381 = arith.constant 0 : i32
      %dma_start3A_382 = tpu.memref_slice %arg4[%reduce_sum3A_370, %dma_start3A_381] : memref<25088x128xi32, #tpu.memory_space<hbm>> -> memref<1x128xi32, #tpu.memory_space<hbm>>
      tpu.enqueue_dma source(%dma_start3A_382 : memref<1x128xi32, #tpu.memory_space<hbm>>) target(%dma_start3A_380 : memref<1x128xi32, #tpu.memory_space<vmem>>) target_semaphore(%arg8 : memref<!tpu.dma_semaphore, #tpu.memory_space<semaphore_mem>>)
      %scan3A_383 = arith.constant 0 : i32
      scf.yield %scan3A_383 : i32
    }
    %scan3A_8 = arith.constant 16 : i32
    %dma_wait3A = arith.constant 0 : i32
    %dma_wait3A_9 = arith.constant 0 : i32
    %dma_wait3A_10 = tpu.memref_slice %arg4[%dma_wait3A, %dma_wait3A_9] : memref<25088x128xi32, #tpu.memory_space<hbm>> -> memref<256x128xi32, #tpu.memory_space<hbm>>
    %dma_wait3A_11 = arith.constant 0 : i32
    %dma_wait3A_12 = arith.constant 0 : i32
    %dma_wait3A_13 = tpu.memref_slice %arg4[%dma_wait3A_11, %dma_wait3A_12] : memref<25088x128xi32, #tpu.memory_space<hbm>> -> memref<256x128xi32, #tpu.memory_space<hbm>>
    tpu.wait_dma2 semaphore(%arg8 : memref<!tpu.dma_semaphore, #tpu.memory_space<semaphore_mem>>) src(%dma_wait3A_13 : memref<256x128xi32, #tpu.memory_space<hbm>>) dst(%arg7 : memref<256x128xi32, #tpu.memory_space<vmem>>)
    "tpu.region"() ({
      %run_scoped3A = tpu.sem_alloc : memref<!tpu.dma_semaphore, #tpu.memory_space<semaphore_mem>>
      %dma_start3A = arith.constant 0 : i32
      %dma_start3A_16 = arith.constant 0 : i32
      %dma_start3A_17 = tpu.memref_slice %arg7[%dma_start3A, %dma_start3A_16] : memref<256x128xi32, #tpu.memory_space<vmem>> -> memref<128x128xi32, #tpu.memory_space<vmem>>
      %dma_start3A_18 = arith.constant 0 : i32
      %dma_start3A_19 = tpu.memref_slice %arg5[%mul3A_2, %dma_start3A_18] : memref<8192x128xi32, #tpu.memory_space<hbm>> -> memref<128x128xi32, #tpu.memory_space<hbm>>
      %dma_start3A_20 = arith.constant 0 : i32
      %dma_start3A_21 = tpu.memref_slice %arg5[%mul3A_2, %dma_start3A_20] : memref<8192x128xi32, #tpu.memory_space<hbm>> -> memref<128x128xi32, #tpu.memory_space<hbm>>
      %dma_start3A_22 = arith.constant 0 : i32
      %dma_start3A_23 = arith.constant 0 : i32
      %dma_start3A_24 = tpu.memref_slice %arg7[%dma_start3A_22, %dma_start3A_23] : memref<256x128xi32, #tpu.memory_space<vmem>> -> memref<128x128xi32, #tpu.memory_space<vmem>>
      tpu.enqueue_dma source(%dma_start3A_24 : memref<128x128xi32, #tpu.memory_space<vmem>>) target(%dma_start3A_21 : memref<128x128xi32, #tpu.memory_space<hbm>>) target_semaphore(%run_scoped3A : memref<!tpu.dma_semaphore, #tpu.memory_space<semaphore_mem>>)
      %dma_wait3A_25 = arith.constant 0 : i32
      %dma_wait3A_26 = arith.constant 0 : i32
      %dma_wait3A_27 = tpu.memref_slice %arg7[%dma_wait3A_25, %dma_wait3A_26] : memref<256x128xi32, #tpu.memory_space<vmem>> -> memref<128x128xi32, #tpu.memory_space<vmem>>
      %dma_wait3A_28 = arith.constant 0 : i32
      %dma_wait3A_29 = tpu.memref_slice %arg5[%mul3A_2, %dma_wait3A_28] : memref<8192x128xi32, #tpu.memory_space<hbm>> -> memref<128x128xi32, #tpu.memory_space<hbm>>
      %dma_wait3A_30 = arith.constant 0 : i32
      %dma_wait3A_31 = tpu.memref_slice %arg5[%mul3A_2, %dma_wait3A_30] : memref<8192x128xi32, #tpu.memory_space<hbm>> -> memref<128x128xi32, #tpu.memory_space<hbm>>
      %dma_wait3A_32 = arith.constant 0 : i32
      %dma_wait3A_33 = arith.constant 0 : i32
      %dma_wait3A_34 = tpu.memref_slice %arg7[%dma_wait3A_32, %dma_wait3A_33] : memref<256x128xi32, #tpu.memory_space<vmem>> -> memref<128x128xi32, #tpu.memory_space<vmem>>
      tpu.wait_dma2 semaphore(%run_scoped3A : memref<!tpu.dma_semaphore, #tpu.memory_space<semaphore_mem>>) src(%dma_wait3A_34 : memref<128x128xi32, #tpu.memory_space<vmem>>) dst(%dma_wait3A_31 : memref<128x128xi32, #tpu.memory_space<hbm>>)
      tpu.yield
    }) : () -> ()
    %add3A_14 = arith.constant 4096 : i32
    %add3A_15 = arith.addi %add3A_14, %mul3A_2 : i32
    "tpu.region"() ({
      %run_scoped3A = tpu.sem_alloc : memref<!tpu.dma_semaphore, #tpu.memory_space<semaphore_mem>>
      %dma_start3A = arith.constant 128 : i32
      %dma_start3A_16 = arith.constant 0 : i32
      %dma_start3A_17 = tpu.memref_slice %arg7[%dma_start3A, %dma_start3A_16] : memref<256x128xi32, #tpu.memory_space<vmem>> -> memref<128x128xi32, #tpu.memory_space<vmem>>
      %dma_start3A_18 = arith.constant 0 : i32
      %dma_start3A_19 = tpu.memref_slice %arg5[%add3A_15, %dma_start3A_18] : memref<8192x128xi32, #tpu.memory_space<hbm>> -> memref<128x128xi32, #tpu.memory_space<hbm>>
      %dma_start3A_20 = arith.constant 0 : i32
      %dma_start3A_21 = tpu.memref_slice %arg5[%add3A_15, %dma_start3A_20] : memref<8192x128xi32, #tpu.memory_space<hbm>> -> memref<128x128xi32, #tpu.memory_space<hbm>>
      %dma_start3A_22 = arith.constant 128 : i32
      %dma_start3A_23 = arith.constant 0 : i32
      %dma_start3A_24 = tpu.memref_slice %arg7[%dma_start3A_22, %dma_start3A_23] : memref<256x128xi32, #tpu.memory_space<vmem>> -> memref<128x128xi32, #tpu.memory_space<vmem>>
      tpu.enqueue_dma source(%dma_start3A_24 : memref<128x128xi32, #tpu.memory_space<vmem>>) target(%dma_start3A_21 : memref<128x128xi32, #tpu.memory_space<hbm>>) target_semaphore(%run_scoped3A : memref<!tpu.dma_semaphore, #tpu.memory_space<semaphore_mem>>)
      %dma_wait3A_25 = arith.constant 128 : i32
      %dma_wait3A_26 = arith.constant 0 : i32
      %dma_wait3A_27 = tpu.memref_slice %arg7[%dma_wait3A_25, %dma_wait3A_26] : memref<256x128xi32, #tpu.memory_space<vmem>> -> memref<128x128xi32, #tpu.memory_space<vmem>>
      %dma_wait3A_28 = arith.constant 0 : i32
      %dma_wait3A_29 = tpu.memref_slice %arg5[%add3A_15, %dma_wait3A_28] : memref<8192x128xi32, #tpu.memory_space<hbm>> -> memref<128x128xi32, #tpu.memory_space<hbm>>
      %dma_wait3A_30 = arith.constant 0 : i32
      %dma_wait3A_31 = tpu.memref_slice %arg5[%add3A_15, %dma_wait3A_30] : memref<8192x128xi32, #tpu.memory_space<hbm>> -> memref<128x128xi32, #tpu.memory_space<hbm>>
      %dma_wait3A_32 = arith.constant 128 : i32
      %dma_wait3A_33 = arith.constant 0 : i32
      %dma_wait3A_34 = tpu.memref_slice %arg7[%dma_wait3A_32, %dma_wait3A_33] : memref<256x128xi32, #tpu.memory_space<vmem>> -> memref<128x128xi32, #tpu.memory_space<vmem>>
      tpu.wait_dma2 semaphore(%run_scoped3A : memref<!tpu.dma_semaphore, #tpu.memory_space<semaphore_mem>>) src(%dma_wait3A_34 : memref<128x128xi32, #tpu.memory_space<vmem>>) dst(%dma_wait3A_31 : memref<128x128xi32, #tpu.memory_space<hbm>>)
      tpu.yield
    }) : () -> ()
    return
  }
}

module attributes {stable_mosaic.version = 14 : i64} {
  func.func @_transpose_body(%arg0: i32, %arg1: memref<64x6272xf32, #tpu.memory_space<vmem>>, %arg2: memref<64x6272xf32, #tpu.memory_space<vmem>>, %arg3: memref<64x6272xf32, #tpu.memory_space<vmem>>, %arg4: memref<64x6272xf32, #tpu.memory_space<vmem>>, %arg5: memref<6272x128xi32, #tpu.memory_space<vmem>>) attributes {dimension_semantics = [#tpu.dimension_semantics<arbitrary>], iteration_bounds = array<i64: 4>, scalar_prefetch = 0 : i64, scratch_operands = 0 : i64, tpu.core_type = #tpu.core_type<tc>, window_params = [{transform_indices = @transform_0, window_bounds = array<i64: 64, 6272>}, {transform_indices = @transform_1, window_bounds = array<i64: 64, 6272>}, {transform_indices = @transform_2, window_bounds = array<i64: 64, 6272>}, {transform_indices = @transform_3, window_bounds = array<i64: 64, 6272>}, {transform_indices = @transform_4, window_bounds = array<i64: 6272, 128>}]} {
    %iota3A = tpu.iota {dimensions = array<i32: 0>} : vector<128x128xi32>
    %iota3A_0 = tpu.iota {dimensions = array<i32: 1>} : vector<128x128xi32>
    %eq3A = arith.cmpi eq, %iota3A, %iota3A_0 : vector<128x128xi32>
    %convert_element_type3A = arith.extui %eq3A : vector<128x128xi1> to vector<128x128xi32>
    %convert_element_type3A_1 = arith.sitofp %convert_element_type3A : vector<128x128xi32> to vector<128x128xf32>
    %get3A = arith.constant 0 : index
    %get3A_2 = arith.constant 0 : index
    %get3A_3 = vector.load %arg1[%get3A, %get3A_2] : memref<64x6272xf32, #tpu.memory_space<vmem>>, vector<64x6272xf32>
    %get3A_4 = arith.constant 0 : index
    %get3A_5 = arith.constant 0 : index
    %get3A_6 = vector.load %arg2[%get3A_4, %get3A_5] : memref<64x6272xf32, #tpu.memory_space<vmem>>, vector<64x6272xf32>
    %concatenate3A = tpu.concatenate %get3A_3, %get3A_6 in 0 : vector<64x6272xf32>, vector<64x6272xf32> -> vector<128x6272xf32>
    %get3A_7 = arith.constant 0 : index
    %get3A_8 = arith.constant 0 : index
    %get3A_9 = vector.load %arg4[%get3A_7, %get3A_8] : memref<64x6272xf32, #tpu.memory_space<vmem>>, vector<64x6272xf32>
    %abs3A = math.absf %get3A_9 : vector<64x6272xf32>
    %lt3A = arith.constant 1.000000e+30 : f32
    %lt3A_10 = vector.broadcast %lt3A : f32 to vector<64x6272xf32>
    %lt3A_11 = arith.cmpf olt, %abs3A, %lt3A_10 : vector<64x6272xf32>
    %jit3A = arith.constant 0.000000e+00 : f32
    %broadcast_in_dim3A = vector.broadcast %jit3A : f32 to vector<64x6272xf32>
    %select_n3A = arith.select %lt3A_11, %get3A_9, %broadcast_in_dim3A : vector<64x6272xi1>, vector<64x6272xf32>
    %get3A_12 = arith.constant 0 : index
    %get3A_13 = arith.constant 0 : index
    %get3A_14 = vector.load %arg3[%get3A_12, %get3A_13] : memref<64x6272xf32, #tpu.memory_space<vmem>>, vector<64x6272xf32>
    %concatenate3A_15 = tpu.concatenate %get3A_14, %select_n3A in 0 : vector<64x6272xf32>, vector<64x6272xf32> -> vector<128x6272xf32>
    %dot_general3A = arith.constant dense<0.000000e+00> : vector<6272x128xf32>
    %dot_general3A_16 = tpu.matmul %concatenate3A, %convert_element_type3A_1, %dot_general3A {dimension_numbers = #tpu.dot_dimension_numbers<[0], [0], [1], [1], [0, 1, 1, 1], [], []>, transpose_lhs_hint = true} : vector<128x6272xf32>, vector<128x128xf32>, vector<6272x128xf32> -> vector<6272x128xf32>
    %dot_general3A_17 = arith.constant dense<0.000000e+00> : vector<6272x128xf32>
    %dot_general3A_18 = tpu.matmul %concatenate3A_15, %convert_element_type3A_1, %dot_general3A_17 {dimension_numbers = #tpu.dot_dimension_numbers<[0], [0], [1], [1], [0, 1, 1, 1], [], []>, transpose_lhs_hint = true} : vector<128x6272xf32>, vector<128x128xf32>, vector<6272x128xf32> -> vector<6272x128xf32>
    %bitcast_convert_type3A = tpu.bitcast %dot_general3A_16 : vector<6272x128xf32> -> vector<6272x128xi32>
    %add3A = arith.constant 32767 : i32
    %add3A_19 = vector.broadcast %add3A : i32 to vector<6272x128xi32>
    %add3A_20 = arith.addi %bitcast_convert_type3A, %add3A_19 : vector<6272x128xi32>
    %shift_right_logical3A = arith.constant 16 : i32
    %shift_right_logical3A_21 = vector.broadcast %shift_right_logical3A : i32 to vector<6272x128xi32>
    %shift_right_logical3A_22 = arith.shrui %bitcast_convert_type3A, %shift_right_logical3A_21 : vector<6272x128xi32>
    %and3A = arith.constant 1 : i32
    %and3A_23 = vector.broadcast %and3A : i32 to vector<6272x128xi32>
    %and3A_24 = arith.andi %shift_right_logical3A_22, %and3A_23 : vector<6272x128xi32>
    %add3A_25 = arith.addi %add3A_20, %and3A_24 : vector<6272x128xi32>
    %and3A_26 = arith.constant -65536 : i32
    %and3A_27 = vector.broadcast %and3A_26 : i32 to vector<6272x128xi32>
    %and3A_28 = arith.andi %add3A_25, %and3A_27 : vector<6272x128xi32>
    %shift_right_logical3A_29 = arith.constant 16 : i32
    %shift_right_logical3A_30 = vector.broadcast %shift_right_logical3A_29 : i32 to vector<6272x128xi32>
    %shift_right_logical3A_31 = arith.shrui %and3A_28, %shift_right_logical3A_30 : vector<6272x128xi32>
    %bitcast_convert_type3A_32 = tpu.bitcast %dot_general3A_18 : vector<6272x128xf32> -> vector<6272x128xi32>
    %add3A_33 = arith.constant 32767 : i32
    %add3A_34 = vector.broadcast %add3A_33 : i32 to vector<6272x128xi32>
    %add3A_35 = arith.addi %bitcast_convert_type3A_32, %add3A_34 : vector<6272x128xi32>
    %shift_right_logical3A_36 = arith.constant 16 : i32
    %shift_right_logical3A_37 = vector.broadcast %shift_right_logical3A_36 : i32 to vector<6272x128xi32>
    %shift_right_logical3A_38 = arith.shrui %bitcast_convert_type3A_32, %shift_right_logical3A_37 : vector<6272x128xi32>
    %and3A_39 = arith.constant 1 : i32
    %and3A_40 = vector.broadcast %and3A_39 : i32 to vector<6272x128xi32>
    %and3A_41 = arith.andi %shift_right_logical3A_38, %and3A_40 : vector<6272x128xi32>
    %add3A_42 = arith.addi %add3A_35, %and3A_41 : vector<6272x128xi32>
    %and3A_43 = arith.constant -65536 : i32
    %and3A_44 = vector.broadcast %and3A_43 : i32 to vector<6272x128xi32>
    %and3A_45 = arith.andi %add3A_42, %and3A_44 : vector<6272x128xi32>
    %or3A = arith.ori %shift_right_logical3A_31, %and3A_45 : vector<6272x128xi32>
    %bitcast_convert_type3A_46 = tpu.bitcast %or3A : vector<6272x128xi32> -> vector<6272x128xi32>
    %swap3A = arith.constant 0 : index
    %swap3A_47 = arith.constant 0 : index
    %swap3A_48 = vector.load %arg5[%swap3A, %swap3A_47] : memref<6272x128xi32, #tpu.memory_space<vmem>>, vector<6272x128xi32>
    tpu.vector_store %arg5[%swap3A, %swap3A_47], %bitcast_convert_type3A_46 {strides = array<i32>} : memref<6272x128xi32, #tpu.memory_space<vmem>>, vector<6272x128xi32>,
    return
  }
  func.func @transform_0(%arg0: i32) -> (i32, i32) {
    %c0_i32 = arith.constant 0 : i32
    %c0_i32_0 = arith.constant 0 : i32
    return %c0_i32, %arg0 : i32, i32
  }
  func.func @transform_1(%arg0: i32) -> (i32, i32) {
    %add3A = arith.constant 4 : i32
    %add3A_0 = arith.addi %arg0, %add3A : i32
    %c0_i32 = arith.constant 0 : i32
    %c0_i32_1 = arith.constant 0 : i32
    return %c0_i32, %add3A_0 : i32, i32
  }
  func.func @transform_2(%arg0: i32) -> (i32, i32) {
    %add3A = arith.constant 8 : i32
    %add3A_0 = arith.addi %arg0, %add3A : i32
    %c0_i32 = arith.constant 0 : i32
    %c0_i32_1 = arith.constant 0 : i32
    return %c0_i32, %add3A_0 : i32, i32
  }
  func.func @transform_3(%arg0: i32) -> (i32, i32) {
    %add3A = arith.constant 12 : i32
    %add3A_0 = arith.addi %arg0, %add3A : i32
    %c0_i32 = arith.constant 0 : i32
    %c0_i32_1 = arith.constant 0 : i32
    return %c0_i32, %add3A_0 : i32, i32
  }
  func.func @transform_4(%arg0: i32) -> (i32, i32) {
    %c0_i32 = arith.constant 0 : i32
    %c0_i32_0 = arith.constant 0 : i32
    return %arg0, %c0_i32 : i32, i32
  }
}

module attributes {stable_mosaic.version = 14 : i64} {
  func.func @_mlp_body(%arg0: i32, %arg1: memref<1024x128xi32, #tpu.memory_space<vmem>>, %arg2: memref<1024x128xi32, #tpu.memory_space<vmem>>, %arg3: memref<1024x1xi32, #tpu.memory_space<vmem>>, %arg4: memref<1024x1xi32, #tpu.memory_space<vmem>>, %arg5: memref<128x256xf32, #tpu.memory_space<vmem>>, %arg6: memref<256xf32, #tpu.memory_space<vmem>>, %arg7: memref<256x128xf32, #tpu.memory_space<vmem>>, %arg8: memref<128xf32, #tpu.memory_space<vmem>>, %arg9: memref<128x64xf32, #tpu.memory_space<vmem>>, %arg10: memref<64xf32, #tpu.memory_space<vmem>>, %arg11: memref<64x1xf32, #tpu.memory_space<vmem>>, %arg12: memref<1x1024xf32, #tpu.memory_space<vmem>>) attributes {dimension_semantics = [#tpu.dimension_semantics<arbitrary>], iteration_bounds = array<i64: 4>, scalar_prefetch = 0 : i64, scratch_operands = 0 : i64, tpu.core_type = #tpu.core_type<tc>, window_params = [{transform_indices = @transform_0, window_bounds = array<i64: 1024, 128>}, {transform_indices = @transform_1, window_bounds = array<i64: 1024, 128>}, {transform_indices = @transform_2, window_bounds = array<i64: 1024, 1>}, {transform_indices = @transform_3, window_bounds = array<i64: 1024, 1>}, {pipeline_mode = #tpu.pipeline_mode<synchronous>, transform_indices = @transform_4, window_bounds = array<i64: 128, 256>}, {pipeline_mode = #tpu.pipeline_mode<synchronous>, transform_indices = @transform_5, window_bounds = array<i64: 256>}, {pipeline_mode = #tpu.pipeline_mode<synchronous>, transform_indices = @transform_6, window_bounds = array<i64: 256, 128>}, {pipeline_mode = #tpu.pipeline_mode<synchronous>, transform_indices = @transform_7, window_bounds = array<i64: 128>}, {pipeline_mode = #tpu.pipeline_mode<synchronous>, transform_indices = @transform_8, window_bounds = array<i64: 128, 64>}, {pipeline_mode = #tpu.pipeline_mode<synchronous>, transform_indices = @transform_9, window_bounds = array<i64: 64>}, {pipeline_mode = #tpu.pipeline_mode<synchronous>, transform_indices = @transform_10, window_bounds = array<i64: 64, 1>}, {transform_indices = @transform_11, window_bounds = array<i64: 1, 1024>}]} {
    %get3A = arith.constant 0 : index
    %get3A_0 = arith.constant 0 : index
    %get3A_1 = vector.load %arg3[%get3A, %get3A_0] : memref<1024x1xi32, #tpu.memory_space<vmem>>, vector<1024x1xi32>
    %ge3A = arith.constant 25088 : i32
    %ge3A_2 = vector.broadcast %ge3A : i32 to vector<1024x1xi32>
    %ge3A_3 = arith.cmpi sge, %get3A_1, %ge3A_2 : vector<1024x1xi32>
    %ge3A_4 = arith.constant 50176 : i32
    %ge3A_5 = vector.broadcast %ge3A_4 : i32 to vector<1024x1xi32>
    %ge3A_6 = arith.cmpi sge, %get3A_1, %ge3A_5 : vector<1024x1xi32>
    %ge3A_7 = arith.constant 75264 : i32
    %ge3A_8 = vector.broadcast %ge3A_7 : i32 to vector<1024x1xi32>
    %ge3A_9 = arith.cmpi sge, %get3A_1, %ge3A_8 : vector<1024x1xi32>
    %xor3A = arith.xori %ge3A_3, %ge3A_6 : vector<1024x1xi1>
    %xor3A_10 = arith.xori %xor3A, %ge3A_9 : vector<1024x1xi1>
    %get3A_11 = arith.constant 0 : index
    %get3A_12 = arith.constant 64 : index
    %get3A_13 = vector.load %arg1[%get3A_11, %get3A_12] : memref<1024x128xi32, #tpu.memory_space<vmem>>, vector<1024x64xi32>
    %get3A_14 = arith.constant 0 : index
    %get3A_15 = arith.constant 0 : index
    %get3A_16 = vector.load %arg1[%get3A_14, %get3A_15] : memref<1024x128xi32, #tpu.memory_space<vmem>>, vector<1024x64xi32>
    %broadcast_in_dim3A = vector.shape_cast %xor3A_10 : vector<1024x1xi1> to vector<1024x1xi1>
    %broadcast_in_dim3A_17 = vector.broadcast %broadcast_in_dim3A : vector<1024x1xi1> to vector<1024x64xi1>
    %select_n3A = arith.select %broadcast_in_dim3A_17, %get3A_13, %get3A_16 : vector<1024x64xi1>, vector<1024x64xi32>
    %bitcast_convert_type3A = tpu.bitcast %select_n3A : vector<1024x64xi32> -> vector<1024x64xi32>
    %shift_left3A = arith.constant 16 : i32
    %shift_left3A_18 = vector.broadcast %shift_left3A : i32 to vector<1024x64xi32>
    %shift_left3A_19 = arith.shli %bitcast_convert_type3A, %shift_left3A_18 : vector<1024x64xi32>
    %bitcast_convert_type3A_20 = tpu.bitcast %shift_left3A_19 : vector<1024x64xi32> -> vector<1024x64xf32>
    %and3A = arith.constant -65536 : i32
    %and3A_21 = vector.broadcast %and3A : i32 to vector<1024x64xi32>
    %and3A_22 = arith.andi %bitcast_convert_type3A, %and3A_21 : vector<1024x64xi32>
    %bitcast_convert_type3A_23 = tpu.bitcast %and3A_22 : vector<1024x64xi32> -> vector<1024x64xf32>
    %broadcast_in_dim3A_24 = vector.shape_cast %ge3A_6 : vector<1024x1xi1> to vector<1024x1xi1>
    %broadcast_in_dim3A_25 = vector.broadcast %broadcast_in_dim3A_24 : vector<1024x1xi1> to vector<1024x64xi1>
    %select_n3A_26 = arith.select %broadcast_in_dim3A_25, %bitcast_convert_type3A_23, %bitcast_convert_type3A_20 : vector<1024x64xi1>, vector<1024x64xf32>
    %get3A_27 = arith.constant 0 : index
    %get3A_28 = arith.constant 0 : index
    %get3A_29 = vector.load %arg4[%get3A_27, %get3A_28] : memref<1024x1xi32, #tpu.memory_space<vmem>>, vector<1024x1xi32>
    %ge3A_30 = arith.constant 25088 : i32
    %ge3A_31 = vector.broadcast %ge3A_30 : i32 to vector<1024x1xi32>
    %ge3A_32 = arith.cmpi sge, %get3A_29, %ge3A_31 : vector<1024x1xi32>
    %ge3A_33 = arith.constant 50176 : i32
    %ge3A_34 = vector.broadcast %ge3A_33 : i32 to vector<1024x1xi32>
    %ge3A_35 = arith.cmpi sge, %get3A_29, %ge3A_34 : vector<1024x1xi32>
    %ge3A_36 = arith.constant 75264 : i32
    %ge3A_37 = vector.broadcast %ge3A_36 : i32 to vector<1024x1xi32>
    %ge3A_38 = arith.cmpi sge, %get3A_29, %ge3A_37 : vector<1024x1xi32>
    %xor3A_39 = arith.xori %ge3A_32, %ge3A_35 : vector<1024x1xi1>
    %xor3A_40 = arith.xori %xor3A_39, %ge3A_38 : vector<1024x1xi1>
    %get3A_41 = arith.constant 0 : index
    %get3A_42 = arith.constant 64 : index
    %get3A_43 = vector.load %arg2[%get3A_41, %get3A_42] : memref<1024x128xi32, #tpu.memory_space<vmem>>, vector<1024x64xi32>
    %get3A_44 = arith.constant 0 : index
    %get3A_45 = arith.constant 0 : index
    %get3A_46 = vector.load %arg2[%get3A_44, %get3A_45] : memref<1024x128xi32, #tpu.memory_space<vmem>>, vector<1024x64xi32>
    %broadcast_in_dim3A_47 = vector.shape_cast %xor3A_40 : vector<1024x1xi1> to vector<1024x1xi1>
    %broadcast_in_dim3A_48 = vector.broadcast %broadcast_in_dim3A_47 : vector<1024x1xi1> to vector<1024x64xi1>
    %select_n3A_49 = arith.select %broadcast_in_dim3A_48, %get3A_43, %get3A_46 : vector<1024x64xi1>, vector<1024x64xi32>
    %bitcast_convert_type3A_50 = tpu.bitcast %select_n3A_49 : vector<1024x64xi32> -> vector<1024x64xi32>
    %shift_left3A_51 = arith.constant 16 : i32
    %shift_left3A_52 = vector.broadcast %shift_left3A_51 : i32 to vector<1024x64xi32>
    %shift_left3A_53 = arith.shli %bitcast_convert_type3A_50, %shift_left3A_52 : vector<1024x64xi32>
    %bitcast_convert_type3A_54 = tpu.bitcast %shift_left3A_53 : vector<1024x64xi32> -> vector<1024x64xf32>
    %and3A_55 = arith.constant -65536 : i32
    %and3A_56 = vector.broadcast %and3A_55 : i32 to vector<1024x64xi32>
    %and3A_57 = arith.andi %bitcast_convert_type3A_50, %and3A_56 : vector<1024x64xi32>
    %bitcast_convert_type3A_58 = tpu.bitcast %and3A_57 : vector<1024x64xi32> -> vector<1024x64xf32>
    %broadcast_in_dim3A_59 = vector.shape_cast %ge3A_35 : vector<1024x1xi1> to vector<1024x1xi1>
    %broadcast_in_dim3A_60 = vector.broadcast %broadcast_in_dim3A_59 : vector<1024x1xi1> to vector<1024x64xi1>
    %select_n3A_61 = arith.select %broadcast_in_dim3A_60, %bitcast_convert_type3A_58, %bitcast_convert_type3A_54 : vector<1024x64xi1>, vector<1024x64xf32>
    %get3A_62 = arith.constant 0 : index
    %get3A_63 = arith.constant 0 : index
    %get3A_64 = vector.load %arg5[%get3A_62, %get3A_63] : memref<128x256xf32, #tpu.memory_space<vmem>>, vector<64x256xf32>
    %dot_general3A = arith.constant dense<0.000000e+00> : vector<1024x256xf32>
    %dot_general3A_65 = tpu.matmul %select_n3A_26, %get3A_64, %dot_general3A {dimension_numbers = #tpu.dot_dimension_numbers<[1], [0], [0], [1], [0, 0, 1, 1], [], []>, transpose_lhs_hint = false} : vector<1024x64xf32>, vector<64x256xf32>, vector<1024x256xf32> -> vector<1024x256xf32>
    %get3A_66 = arith.constant 64 : index
    %get3A_67 = arith.constant 0 : index
    %get3A_68 = vector.load %arg5[%get3A_66, %get3A_67] : memref<128x256xf32, #tpu.memory_space<vmem>>, vector<64x256xf32>
    %dot_general3A_69 = arith.constant dense<0.000000e+00> : vector<1024x256xf32>
    %dot_general3A_70 = tpu.matmul %select_n3A_61, %get3A_68, %dot_general3A_69 {dimension_numbers = #tpu.dot_dimension_numbers<[1], [0], [0], [1], [0, 0, 1, 1], [], []>, transpose_lhs_hint = false} : vector<1024x64xf32>, vector<64x256xf32>, vector<1024x256xf32> -> vector<1024x256xf32>
    %add3A = arith.addf %dot_general3A_65, %dot_general3A_70 : vector<1024x256xf32>
    %get3A_71 = arith.constant 0 : index
    %get3A_72 = vector.load %arg6[%get3A_71] : memref<256xf32, #tpu.memory_space<vmem>>, vector<256xf32>
    %reshape3A = vector.shape_cast %get3A_72 : vector<256xf32> to vector<1x256xf32>
    %add3A_73 = vector.broadcast %reshape3A : vector<1x256xf32> to vector<1024x256xf32>
    %add3A_74 = arith.addf %add3A, %add3A_73 : vector<1024x256xf32>
    %max3A = arith.constant 0.000000e+00 : f32
    %max3A_75 = vector.broadcast %max3A : f32 to vector<1024x256xf32>
    %max3A_76 = arith.maximumf %add3A_74, %max3A_75 : vector<1024x256xf32>
    %get3A_77 = arith.constant 0 : index
    %get3A_78 = arith.constant 0 : index
    %get3A_79 = vector.load %arg7[%get3A_77, %get3A_78] : memref<256x128xf32, #tpu.memory_space<vmem>>, vector<256x128xf32>
    %dot_general3A_80 = arith.constant dense<0.000000e+00> : vector<1024x128xf32>
    %dot_general3A_81 = tpu.matmul %max3A_76, %get3A_79, %dot_general3A_80 {dimension_numbers = #tpu.dot_dimension_numbers<[1], [0], [0], [1], [0, 0, 1, 1], [], []>, transpose_lhs_hint = false} : vector<1024x256xf32>, vector<256x128xf32>, vector<1024x128xf32> -> vector<1024x128xf32>
    %get3A_82 = arith.constant 0 : index
    %get3A_83 = vector.load %arg8[%get3A_82] : memref<128xf32, #tpu.memory_space<vmem>>, vector<128xf32>
    %reshape3A_84 = vector.shape_cast %get3A_83 : vector<128xf32> to vector<1x128xf32>
    %add3A_85 = vector.broadcast %reshape3A_84 : vector<1x128xf32> to vector<1024x128xf32>
    %add3A_86 = arith.addf %dot_general3A_81, %add3A_85 : vector<1024x128xf32>
    %max3A_87 = arith.constant 0.000000e+00 : f32
    %max3A_88 = vector.broadcast %max3A_87 : f32 to vector<1024x128xf32>
    %max3A_89 = arith.maximumf %add3A_86, %max3A_88 : vector<1024x128xf32>
    %get3A_90 = arith.constant 0 : index
    %get3A_91 = arith.constant 0 : index
    %get3A_92 = vector.load %arg9[%get3A_90, %get3A_91] : memref<128x64xf32, #tpu.memory_space<vmem>>, vector<128x64xf32>
    %dot_general3A_93 = arith.constant dense<0.000000e+00> : vector<1024x64xf32>
    %dot_general3A_94 = tpu.matmul %max3A_89, %get3A_92, %dot_general3A_93 {dimension_numbers = #tpu.dot_dimension_numbers<[1], [0], [0], [1], [0, 0, 1, 1], [], []>, transpose_lhs_hint = false} : vector<1024x128xf32>, vector<128x64xf32>, vector<1024x64xf32> -> vector<1024x64xf32>
    %get3A_95 = arith.constant 0 : index
    %get3A_96 = vector.load %arg10[%get3A_95] : memref<64xf32, #tpu.memory_space<vmem>>, vector<64xf32>
    %reshape3A_97 = vector.shape_cast %get3A_96 : vector<64xf32> to vector<1x64xf32>
    %add3A_98 = vector.broadcast %reshape3A_97 : vector<1x64xf32> to vector<1024x64xf32>
    %add3A_99 = arith.addf %dot_general3A_94, %add3A_98 : vector<1024x64xf32>
    %max3A_100 = arith.constant 0.000000e+00 : f32
    %max3A_101 = vector.broadcast %max3A_100 : f32 to vector<1024x64xf32>
    %max3A_102 = arith.maximumf %add3A_99, %max3A_101 : vector<1024x64xf32>
    %get3A_103 = arith.constant 0 : index
    %get3A_104 = arith.constant 0 : index
    %get3A_105 = vector.load %arg11[%get3A_103, %get3A_104] : memref<64x1xf32, #tpu.memory_space<vmem>>, vector<64x1xf32>
    %dot_general3A_106 = arith.constant dense<0.000000e+00> : vector<1024x1xf32>
    %dot_general3A_107 = tpu.matmul %max3A_102, %get3A_105, %dot_general3A_106 {dimension_numbers = #tpu.dot_dimension_numbers<[1], [0], [0], [1], [0, 0, 1, 1], [], []>, transpose_lhs_hint = false} : vector<1024x64xf32>, vector<64x1xf32>, vector<1024x1xf32> -> vector<1024x1xf32>
    %transpose3A = tpu.transpose %dot_general3A_107, [1, 0] : vector<1024x1xf32> -> vector<1x1024xf32>
    %swap3A = arith.constant 0 : index
    %swap3A_108 = arith.constant 0 : index
    %swap3A_109 = vector.load %arg12[%swap3A, %swap3A_108] : memref<1x1024xf32, #tpu.memory_space<vmem>>, vector<1x1024xf32>
    tpu.vector_store %arg12[%swap3A, %swap3A_108], %transpose3A {strides = array<i32>} : memref<1x1024xf32, #tpu.memory_space<vmem>>, vector<1x1024xf32>,
    return
  }
  func.func @transform_0(%arg0: i32) -> (i32, i32) {
    %c0_i32 = arith.constant 0 : i32
    %c0_i32_0 = arith.constant 0 : i32
    return %arg0, %c0_i32 : i32, i32
  }
  func.func @transform_1(%arg0: i32) -> (i32, i32) {
    %add3A = arith.constant 4 : i32
    %add3A_0 = arith.addi %arg0, %add3A : i32
    %c0_i32 = arith.constant 0 : i32
    %c0_i32_1 = arith.constant 0 : i32
    return %add3A_0, %c0_i32 : i32, i32
  }
  func.func @transform_2(%arg0: i32) -> (i32, i32) {
    %c0_i32 = arith.constant 0 : i32
    %c0_i32_0 = arith.constant 0 : i32
    return %arg0, %c0_i32 : i32, i32
  }
  func.func @transform_3(%arg0: i32) -> (i32, i32) {
    %c0_i32 = arith.constant 0 : i32
    %c0_i32_0 = arith.constant 0 : i32
    return %arg0, %c0_i32 : i32, i32
  }
  func.func @transform_4(%arg0: i32) -> (i32, i32) {
    %c0_i32 = arith.constant 0 : i32
    %c0_i32_0 = arith.constant 0 : i32
    %c0_i32_1 = arith.constant 0 : i32
    return %c0_i32, %c0_i32_0 : i32, i32
  }
  func.func @transform_5(%arg0: i32) -> i32 {
    %c0_i32 = arith.constant 0 : i32
    %c0_i32_0 = arith.constant 0 : i32
    return %c0_i32 : i32
  }
  func.func @transform_6(%arg0: i32) -> (i32, i32) {
    %c0_i32 = arith.constant 0 : i32
    %c0_i32_0 = arith.constant 0 : i32
    %c0_i32_1 = arith.constant 0 : i32
    return %c0_i32, %c0_i32_0 : i32, i32
  }
  func.func @transform_7(%arg0: i32) -> i32 {
    %c0_i32 = arith.constant 0 : i32
    %c0_i32_0 = arith.constant 0 : i32
    return %c0_i32 : i32
  }
  func.func @transform_8(%arg0: i32) -> (i32, i32) {
    %c0_i32 = arith.constant 0 : i32
    %c0_i32_0 = arith.constant 0 : i32
    %c0_i32_1 = arith.constant 0 : i32
    return %c0_i32, %c0_i32_0 : i32, i32
  }
  func.func @transform_9(%arg0: i32) -> i32 {
    %c0_i32 = arith.constant 0 : i32
    %c0_i32_0 = arith.constant 0 : i32
    return %c0_i32 : i32
  }
  func.func @transform_10(%arg0: i32) -> (i32, i32) {
    %c0_i32 = arith.constant 0 : i32
    %c0_i32_0 = arith.constant 0 : i32
    %c0_i32_1 = arith.constant 0 : i32
    return %c0_i32, %c0_i32_0 : i32, i32
  }
  func.func @transform_11(%arg0: i32) -> (i32, i32) {
    %c0_i32 = arith.constant 0 : i32
    %c0_i32_0 = arith.constant 0 : i32
    return %c0_i32, %arg0 : i32, i32
  }
}

</mosaic_0001>

<sc_bundles>
// kernel: kernel.5.cloned.1.call-start
scs
__scs_entry_jumppad:
0x0: {  	(pc) =	sbr.rel $0x88, $3  }
0x1: {  	(tag) =	ssettag $0x0;
	lr =	simm.s32 $0x1  }
0x2: {  	[smem:$0x3F97] =	sst lr;
	_ =	strace $0xD0000000  }
0x3: {  	_ = 	snop  }
0x4: {  	_ = 	snop  }
0x5: {  	_ = 	snop  }
0x6: {  	_ = 	snop  }
0x7: {  	_ = 	snop  }
__scs_overlays_trampoline_lowered:
0x8: {  	[smem:$0x3FA6] =	sst s0  }
0x9: {  	[smem:$0x3FA7] =	sst s1  }
0xa: {  	[smem:$0x3FA8] =	sst s2  }
0xb: {  	[smem:$0x3FA9] =	sst s3  }
0xc: {  	[smem:$0x3FAA] =	sst s4  }
0xd: {  	[smem:$0x3FAB] =	sst s5  }
0xe: {  	[smem:$0x3FAC] =	sst s6  }
0xf: {  	[smem:$0x3FAD] =	sst s7  }
0x10: {  	[smem:$0x3FAE] =	sst s8  }
0x11: {  	[smem:$0x3FAF] =	sst s9;
	s0 =	simm.s32 @!p0 $0x0  }
0x12: {  	s1 =	sld [smem:$0x3F95];
	s0 =	simm.s32 @p0 $0x1  }
0x13: {  	[smem:$0x3FB0] =	sst s0;
	s0 =	simm.s32 @!p1 $0x0  }
0x14: {  	s2 =	sld [smem:$0x3F94];
	s0 =	simm.s32 @p1 $0x1  }
0x15: {  	[smem:$0x3FB1] =	sst s0;
	s0 =	simm.s32 @!p2 $0x0  }
0x16: {  	s3 =	sld [smem:$0x3FDB];
	s0 =	simm.s32 @p2 $0x1  }
0x17: {  	s4 =	simm.s32 $0x1BF5;
	[smem:$0x3FB3] =	sst s0  }
0x18: {  	s0 =	sld [smem:$0x3F96];
	_ =	swait.ge [sflag:s4], $0x0  }
0x19: {  	s7 =	sld [smem:$0x3F97]  }
0x1a: {  	s8 =	sadd.s32 $0xFFFFE003, lr  }
0x1b: {  	s9 =	sadd.s32 $0xFFFFFEF7, lr;
	s5 =	simm.s32 $0xFFFFFFFF;
	p2 =	slt.u32 s8, $0xFFFFF086  }
0x1c: {  	p1 =	slt.u32 s9, $0xF7A;
	s5 =	simm.s32 @!p2 $0x0  }
0x1d: {  	s5 =	simm.s32 @p1 $0x1;
	p0 =	seq.s32 s7, s2  }
0x1e: {  	s7 =	smul.u32 @!p0 $0xF7A, s2;
	p2 =	seq.s32 @!p0 s5, $0x0  }
0x1f: {  	s9 =	smul.u32 $0xF7A, s1;
	s8 =	simm.s32 @!p0 $0x1BF5;
	p2 =	por !p2, p0  }
0x20: {  	[sflag:s8] =	ssyncset.s32 @!p0 $0xFFFFF086;
	s6 =	sadd.s32 @!p0 s3, s7;
	s7 =	simm.s32 @!p0 $0x108  }
0x21: {  	s3 =	sadd.s32 s3, s9;
	s6 =	sadd.s32 @!p0 $0x88, s6;
	s7 =	simm.s32 @p2 $0x1082  }
0x22: {  	[simem:s7], [sflag:s8] =	dma.local @!p0 [hbm:s6], $0xF7A  }
0x23: {  	s9 =	sor.u32 $0xD0000000, s2;
	s6 =	simm.s32 $0x108;
	_ =	swait.ge @!p0 [sflag:s8], $0x0  }
0x24: {  	s3 =	sadd.s32 $0x88, s3;
	s6 =	simm.s32 @!p1 $0x1082;
	[sflag:s4] =	ssyncset.s32 $0xFFFFF086  }
0x25: {  	[simem:s6], [sflag:s4] =	dma.local [hbm:s3], $0xF7A  }
0x26: {  	[smem:$0x3F97] =	sst s1;
	(tag) =	ssettag s2;
	_ =	strace s9  }
0x27: {  	s1 =	sld [smem:$0x3FA7]  }
0x28: {  	s2 =	sld [smem:$0x3FA8]  }
0x29: {  	s4 =	sld [smem:$0x3FAA]  }
0x2a: {  	p0 =	seq.s32 s5, $0x0;
	s5 =	sld [smem:$0x3FAB]  }
0x2b: {  	s6 =	sld [smem:$0x3FAC]  }
0x2c: {  	s7 =	sld [smem:$0x3FAD]  }
0x2d: {  	s3 =	simm.s32 $0x108;
	s8 =	sld [smem:$0x3FAE]  }
0x2e: {  	s3 =	simm.s32 @!p0 $0x1082;
	s9 =	sld [smem:$0x3FAF]  }
0x2f: {  	lr =	sadd.s32 s0, s3;
	s0 =	sld [smem:$0x3FA6]  }
0x30: {  	s3 =	sld [smem:$0x3FA9]  }
0x31: {  	[smem:$0x3FB2] =	sst s10  }
0x32: {  	s10 =	sld [smem:$0x3FB0];
	_ =	sdelay $0x3  }
0x33: {  	p0 =	seq.s32 s10, $0x1;
	s10 =	sld [smem:$0x3FB2];
	_ =	sdelay $0x3  }
0x34: {  	[smem:$0x3FB2] =	sst s10  }
0x35: {  	s10 =	sld [smem:$0x3FB1];
	_ =	sdelay $0x3  }
0x36: {  	p1 =	seq.s32 s10, $0x1;
	s10 =	sld [smem:$0x3FB2];
	_ =	sdelay $0x3  }
0x37: {  	[smem:$0x3FB2] =	sst s10  }
0x38: {  	s10 =	sld [smem:$0x3FB3]  }
0x39: {  	_ = 	snop;
	(pc) =	sbr.ind lr, $3  }
0x3a: {  	_ = 	snop  }
0x3b: {  	_ = 	snop  }
0x3c: {  	p2 =	seq.s32 s10, $0x1;
	s10 =	sld [smem:$0x3FB2]  }
0x3d: {  	_ =	shalt  }
0x3e: {  	_ =	shalt  }
0x3f: {  	_ =	shalt  }
0x40: {  	_ =	shalt  }
0x41: {  	_ =	shalt  }
0x42: {  	_ =	shalt  }
0x43: {  	_ =	shalt  }
0x44: {  	_ =	shalt  }
0x45: {  	_ =	shalt  }
0x46: {  	_ =	shalt  }
0x47: {  	_ =	shalt  }
0x48: {  	_ =	shalt  }
0x49: {  	_ =	shalt  }
0x4a: {  	_ =	shalt  }
0x4b: {  	_ =	shalt  }
0x4c: {  	_ =	shalt  }
0x4d: {  	_ =	shalt  }
0x4e: {  	_ =	shalt  }
0x4f: {  	_ =	shalt  }
0x50: {  	_ =	shalt  }
0x51: {  	_ =	shalt  }
0x52: {  	_ =	shalt  }
0x53: {  	_ =	shalt  }
0x54: {  	_ =	shalt  }
0x55: {  	_ =	shalt  }
0x56: {  	_ =	shalt  }
0x57: {  	_ =	shalt  }
0x58: {  	_ =	shalt  }
0x59: {  	_ =	shalt  }
0x5a: {  	_ =	shalt  }
0x5b: {  	_ =	shalt  }
0x5c: {  	_ =	shalt  }
0x5d: {  	_ =	shalt  }
0x5e: {  	_ =	shalt  }
0x5f: {  	_ =	shalt  }
0x60: {  	_ =	shalt  }
0x61: {  	_ =	shalt  }
0x62: {  	_ =	shalt  }
0x63: {  	_ =	shalt  }
0x64: {  	_ =	shalt  }
0x65: {  	_ =	shalt  }
0x66: {  	_ =	shalt  }
0x67: {  	_ =	shalt  }
0x68: {  	_ =	shalt  }
0x69: {  	_ =	shalt  }
0x6a: {  	_ =	shalt  }
0x6b: {  	_ =	shalt  }
0x6c: {  	_ =	shalt  }
0x6d: {  	_ =	shalt  }
0x6e: {  	_ =	shalt  }
0x6f: {  	_ =	shalt  }
0x70: {  	_ =	shalt  }
0x71: {  	_ =	shalt  }
0x72: {  	_ =	shalt  }
0x73: {  	_ =	shalt  }
0x74: {  	_ =	shalt  }
0x75: {  	_ =	shalt  }
0x76: {  	_ =	shalt  }
0x77: {  	_ =	shalt  }
0x78: {  	_ =	shalt  }
0x79: {  	_ =	shalt  }
0x7a: {  	_ =	shalt  }
0x7b: {  	_ =	shalt  }
0x7c: {  	_ =	shalt  }
0x7d: {  	_ =	shalt  }
0x7e: {  	_ =	shalt  }
0x7f: {  	_ =	shalt  }
0x80: {  	_ =	shalt  }
0x81: {  	_ =	shalt  }
0x82: {  	_ =	shalt  }
0x83: {  	_ =	shalt  }
0x84: {  	_ =	shalt  }
0x85: {  	_ =	shalt  }
0x86: {  	_ =	shalt  }
0x87: {  	_ =	shalt  }
.Lfunc_end0:
.L_simem_size_0:
called_computation_lowered:
.L_overlay_start_0:
0x88: {  	s2 =	sld [smem:$0x3FD9]  }
0x89: {  	s3 =	sld [smem:$0x3FFE];
	_ =	sdelay $0x1  }
0x8a: {  	s1 =	srdreg.scid  }
0x8b: {  	s0 =	sand.u32 $0x1, s1  }
0x8c: {  	s17 =	sshll.u32 s0, $0xA;
	s2 =	sadd.s32 s3, s2  }
0x8d: {  	s2 =	sadd.s32 s2, s17  }
0x8e: {  	[smem:$0x3FBE] =	sst s2  }
0x8f: {  	_ = 	snop  }
0x90: {  	s2 =	sld [smem:$0x3FC9]  }
0x91: {  	s18 =	sld [smem:$0x3FC8];
	(tm) =	ssettm $0x1  }
0x92: {  	s4 =	sld [smem:$0x3FFB];
	_ =	sdelay $0x3  }
0x93: {  	_ =	strace s4  }
0x94: {  	s4 =	sld [smem:$0x3FFC];
	_ =	sdelay $0x3  }
0x95: {  	_ =	strace s4  }
0x96: {  	s4 =	sld [smem:$0x3FFD];
	_ =	sdelay $0x3  }
0x97: {  	_ =	strace s4  }
0x98: {  	_ =	strace $0x8FFFFFFF  }
0x99: {  	s19 =	sld [smem:$0x3FDB];
	_ =	sdelay $0x1  }
0x9a: {  	s5 =	simm.s32 $_scs_section_size  }
0x9b: {  	s6 =	simm.s32 $_size__tile_overlayer_lowered;
	s7 =	simm.s32 $_tile_overlayer_lowered  }
0x9c: {  	s22 =	simm.s32 $0x1BFF;
	s21 =	sshll.u32 s7, $0x1;
	s4 =	sadd.s32 s5, s19  }
0x9d: {  	s8 =	simm.s32 $0x0;
	s20 =	sshll.u32 s6, $0x1;
	s6 =	sadd.s32 s21, s4  }
0x9e: {  	[timem:s8], [sflag:s22] =	dma.local [hbm:s6], s20  }
0x9f: {  	_ =	swait.ge [sflag:s22], s20  }
0xa0: {  	s5 =	ssub.s32 $0x0, s20;
	[sflag:s22] =	ssyncset.done $0x0  }
0xa1: {  	[sflag:s22] =	ssyncadd.s32 s5;
	_ =	sdelay $0x1  }
0xa2: {  	s23 =	simm.s32 $0x1B8B  }
0xa3: {  	_ =	swait.ge [sflag:s23], $0x1  }
0xa4: {  	[sflag:s23] =	ssyncset.done $0x0  }
0xa5: {  	s25 =	simm.s32 $0x1B8E;
	s24 =	sld [smem:$0x3FFE];
	[sflag:s23] =	ssyncadd.s32 $0xFFFFFFFF  }
0xa6: {  	s26 =	simm.s32 $execute0_lowered;
	[smem:$0x3FD2] =	sst s25  }
0xa7: {  	s6 =	sshll.u32 s26, $0x1;
	_ =	strace $0x80000046;
	[dreg:$0x1] =	wrdreg $0xFFFFFFFF  }
0xa8: {  	s28 =	simm.s32 $_size_execute0_lowered;
	s4 =	sadd.s32 s4, s6;
	[dreg:$0x0] =	wrdreg $0x0  }
0xa9: {  	s6 =	sshll.u32 s28, $0x1;
	[dreg:$0x2] =	wrdreg s4  }
0xaa: {  	[dreg:$0x3] =	wrdreg s6  }
0xab: {  	[dreg:$0x4] =	wrdreg $0xC0  }
0xac: {  	_ =	task [dreg:s8], $0x5FFFF  }
0xad: {  	[dreg:$0x1] =	wrdreg $0xFFFFFFFF  }
0xae: {  	[dreg:$0x0] =	wrdreg $0x60  }
0xaf: {  	[dreg:$0x2] =	wrdreg s2  }
0xb0: {  	[dreg:$0x3] =	wrdreg s18  }
0xb1: {  	[dreg:$0x4] =	wrdreg s24  }
0xb2: {  	[dreg:$0x5] =	wrdreg $0x9  }
0xb3: {  	_ =	task.clear_ibuf [dreg:s8], $0x6FFFF;
	_ =	strace $0x90000046  }
0xb4: {  	s29 =	simm.s32 $0x9;
	_ =	strace $0x80000048  }
0xb5: {  	_ =	swait.ge [sflag:s29], $0x1  }
0xb6: {  	[sflag:s29] =	ssyncadd.s32 $0xFFFFFFFF  }
0xb7: {  	_ =	strace $0x90000048  }
0xb8: {  	_ =	sfence  }
0xb9: {  	s30 =	sld [smem:$0x0];
	_ =	sdelay $0x2  }
0xba: {  	s31 =	sshll.u32 s1, $0xD;
	s1 =	sshrl.u32 s1, $0x2  }
0xbb: {  	s3 =	sand.u32 $0x4000, s31;
	s1 =	sadd.s32 s1, s30  }
0xbc: {  	s0 =	sor.u32 s3, s0;
	s1 =	sshll.u32 s1, $0x11  }
0xbd: {  	s0 =	sor.u32 s1, s0  }
0xbe: {  	s0 =	sadd.s32 $0x8F2B, s0  }
0xbf: {  	[sflag:s0] =	ssyncadd.remote.s32 $0x1  }
0xc0: {  	_ =	sfence.sel $0xFFFF  }
0xc1: {  	[dreg:$0x0] =	wrdreg $0xFFFFFFFF;
	(pc) =	sbr.abs _section_cstart, $3  }
0xc2: {  	[dreg:$0x1] =	wrdreg $0xFFFFFFFF  }
0xc3: {  	_ =	task.clear_ibuf [dreg:s8], $0x2FFFF;
	_ =	strace $0x9FFFFFFF  }
0xc4: {  	(tm) =	ssettm $0x7FFFFFFF  }
0xc5: {  	_ =	shalt  }
tec
execute0_lowered:
.L_overlay_start_1:
0x0: {  	(tag) =	ssettag $0x1  }
0x1: {  	s0 =	rddreg [dreg:$0x0]  }
0x2: {  	s5 =	rddreg [dreg:$0x1]  }
0x3: {  	s4 =	rddreg [dreg:$0x2];
	s3 =	srdreg.scid;
	s2 =	simm.s32 $0x0  }
0x4: {  	s1 =	stileid.u32;
	s11 =	simm.s32 $0x1;
	s6 =	sand.u32 $0x1, s3  }
0x5: {  	s14 =	simm.s32 $0x0;
	s29 =	sshll.u32 s1, $0x8;
	s7 =	sshll.u32 s6, $0x7  }
0x6: {  	v0 =	vimm.s32 $0xFFFF3C00;
	[smem:$0x7FF] =	sst s2;
	s3 =	sadd.s32 $0x1A00, s4;
	s7 =	sor.u32 s7, s29  }
0x7: {  	v1 =	vimm.s32 $0xFFFF9E00;
	vm0 =	vmmov $0x1;
	vm3 =	vcmask $0x70C;
	s6 =	ssub.s32 $0x2, s6;
	s8 =	sshll.u32 s7, $0x4;
	s7 =	sshrl.u32 s7, $0x3  }
0x8: {  	vm4 =	vcmask $0xB10;
	vm6 =	vcmask $0x1318;
	vm9 =	vcmask $0x1F24;
	_ =	strace $0x80000047;
	s30 =	sshrl.u32 s6, $0x1;
	s0 =	sadd.s32 s0, s7  }
0x9: {  	vm10 =	vcmask $0x2328;
	vm11 =	vcmask $0x272C;
	vm12 =	vcmask $0x2B30;
	s8 =	sadd.s32 s8, s4;
	s31 =	sadd.s32 s5, s7;
	[dreg:$0x4] =	wrdreg s0  }
0xa: {  	vm13 =	vcmask $0x2F34;
	vm14 =	vcmask $0x3338;
	vm7 =	vcmask $0x373C;
	s9 =	ssub.s32 s6, s30;
	[dreg:$0x5] =	wrdreg s31;
	s6 =	sadd.s32 $0x63A00, s8  }
0xb: {  	vm15 =	vmmov $0x7fff;
	vm5 =	vcmask $0xF14;
	vm8 =	vcmask $0x1B20;
	s7 =	sadd.s32 $0x73A00, s8;
	s8 =	smax.u32 s9, $0x1;
	s9 =	simm.s32 $0x2  }
.LBB2_1:
0xc: {  	s0 =	rddreg [dreg:$0x4]  }
0xd: {  	[tilespmem:s2], [sflag:$0x2] =	stream.linear.gather [hbm4b:s0+s2], $0x80, $0x38;
	[tilespmem:$0x8100] =	vst v63  }
0xe: {  	_ =	swait.ge [sflag:s9], $0x80  }
0xf: {  	[sflag:s9] =	ssyncset.done $0x0  }
0x10: {  	s1 =	simm.s32 $0x80;
	s28 =	rddreg [dreg:$0x5];
	[sflag:s9] =	ssyncadd.s32 $0xFFFFFF80  }
0x11: {  	[tilespmem:s1], [sflag:$0x2] =	stream.linear.gather [hbm4b:s28+s2], $0x80, $0x38;
	[tilespmem:$0x8100] =	vst v63  }
0x12: {  	_ =	swait.ge [sflag:s9], $0x80  }
0x13: {  	[sflag:s9] =	ssyncset.done $0x0  }
0x14: {  	[sflag:s9] =	ssyncadd.s32 $0xFFFFFF80  }
0x15: {  	v2 =	vld [tilespmem:s2+$0x0];
	_ =	sdelay $0x4  }
0x16: {  	vm1 =	vlt.s32 v2, $0xC400  }
0x17: {  	v3 =	vsel vm1, $0x0, v0  }
0x18: {  	v2 =	vadd.s32 v2, v3  }
0x19: {  	vm1 =	vlt.s32 v2, $0x6200  }
0x1a: {  	v3 =	vsel vm1, $0x0, v1  }
0x1b: {  	v2 =	vadd.s32 v2, v3  }
0x1c: {  	v3 =	vnsel vm0, $0x0, v2  }
0x1d: {  	v4 =	vsel vm3, $0x0, v2;
	(xrf0) =	vadd.scan.msk.s32 $0xffff, v3  }
0x1e: {  	vm2 =	vcmask $0x308;
	v3 =	vsel vm4, $0x0, v2;
	(xrf0) =	vadd.scan.msk.s32 $0xffff, v4  }
0x1f: {  	v49 =	vsel vm2, $0x0, v2;
	(xrf0) =	vadd.scan.msk.s32 $0xffff, v3  }
0x20: {  	(xrf0) =	vadd.scan.msk.s32 $0xffff, v49;
	_ =	sdelay $0x2  }
0x21: {  	v3, _, _ =	vpop (xrf0)  }
0x22: {  	v50 =	vsel vm9, $0x0, v2;
	(v2sf) =	vpush v3, $0xF;
	v3, _, _ =	vpop (xrf0)  }
0x23: {  	v5 =	vsel vm10, $0x0, v2;
	(xrf0) =	vadd.scan.msk.s32 $0xffff, v50;
	(v2sf) =	vpush v3, $0xF;
	v3, _, _ =	vpop (xrf0)  }
0x24: {  	v51 =	vsel vm6, $0x0, v2;
	(xrf0) =	vadd.scan.msk.s32 $0xffff, v5;
	v52, _, _ =	vpop (xrf0);
	(v2sf) =	vpush v3, $0xF  }
0x25: {  	v3 =	vsel vm5, $0x0, v2;
	(xrf0) =	vadd.scan.msk.s32 $0xffff, v51;
	(v2sf) =	vpush v52, $0xF  }
0x26: {  	(xrf0) =	vadd.scan.msk.s32 $0xffff, v3;
	v3 =	vsel vm11, $0x0, v2;
	_ =	sdelay $0x2  }
0x27: {  	v53 =	vsel vm12, $0x0, v2;
	(xrf0) =	vadd.scan.msk.s32 $0xffff, v3;
	v3, _, _ =	vpop (xrf0)  }
0x28: {  	v54 =	vsel vm13, $0x0, v2;
	(xrf0) =	vadd.scan.msk.s32 $0xffff, v53;
	v55, _, _ =	vpop (xrf0)  }
0x29: {  	v6 =	vsel vm14, $0x0, v2;
	(xrf0) =	vadd.scan.msk.s32 $0xffff, v54;
	(v2sf) =	vpush v3, $0xF;
	v3, _, _ =	vpop (xrf0)  }
0x2a: {  	v56 =	vsel vm7, $0x0, v2;
	vm2 =	vmmov vm7;
	vm7 =	vcmask $0x171C;
	(xrf0) =	vadd.scan.msk.s32 $0xffff, v6;
	v57, _, _ =	vpop (xrf0)  }
0x2b: {  	v7 =	vsel vm7, $0x0, v2;
	(xrf0) =	vadd.scan.msk.s32 $0xffff, v56;
	(v2sf) =	vpush v57, $0xF  }
0x2c: {  	v58 =	vsel vm8, $0x0, v2;
	(xrf0) =	vadd.scan.msk.s32 $0xffff, v7  }
0x2d: {  	s15 =	simm.s32 $0x2000;
	s16 =	simm.s32 $0x0;
	s4 =	simm.s32 $0x200;
	(xrf0) =	vadd.scan.msk.s32 $0xffff, v58;
	v59, _, _ =	vpop (xrf0);
	(v2sf) =	vpush v3, $0xF  }
0x2e: {  	s25 =	simm.s32 $0x300;
	s20 =	simm.s32 $0x480;
	s17 =	simm.s32 $0x100;
	v3, _, _ =	vpop (xrf0)  }
0x2f: {  	s24 =	simm.s32 $0x180;
	s21 =	simm.s32 $0x400;
	(v2sf) =	vpush v59, $0xF;
	v60, _, _ =	vpop (xrf0);
	s18 =	spop (v2sf)  }
0x30: {  	s26 =	simm.s32 $0x380;
	v61, _, _ =	vpop (xrf0);
	s18 =	sshll.u32 s18, $0x4;
	s28 =	spop (v2sf)  }
0x31: {  	s19 =	simm.s32 $0x700;
	v62, _, _ =	vpop (xrf0);
	(v2sf) =	vpush v55, $0xF;
	s22 =	sand.u32 $0x1FFFFFF0, s18;
	s29 =	spop (v2sf)  }
0x32: {  	s23 =	simm.s32 $0x600;
	v63, _, _ =	vpop (xrf0);
	s22 =	sadd.s32 s3, s22;
	s30 =	spop (v2sf)  }
0x33: {  	v8, _, _ =	vpop (xrf0);
	(v2sf) =	vpush v63, $0xF;
	[tilespmem:s17], [sflag:$0x1] =	stream.linear.gather [hbm4b:s22+s2], $0x80, $0x38;
	[tilespmem:$0x8100] =	vst v63  }
0x34: {  	s12 =	simm.s32 $0x280;
	(v2sf) =	vpush v8, $0xF;
	s28 =	sshll.u32 s28, $0x4;
	s30 =	sshll.u32 s30, $0x4  }
0x35: {  	s18 =	simm.s32 $0x780;
	s28 =	sand.u32 $0x1FFFFFF0, s28;
	s30 =	sand.u32 $0x1FFFFFF0, s30  }
0x36: {  	s29 =	sshll.u32 s29, $0x4;
	(v2sf) =	vpush v3, $0xF;
	s17 =	simm.s32 $0x10;
	s30 =	sadd.s32 s3, s30  }
0x37: {  	[tilespmem:s24], [sflag:$0x1] =	stream.linear.gather [hbm4b:s30+s2], $0x80, $0x38;
	[tilespmem:$0x8100] =	vst v63  }
0x38: {  	s5 =	sand.u32 $0x1FFFFFF0, s29;
	s28 =	sadd.s32 s3, s28;
	s30 =	spop (v2sf)  }
0x39: {  	v2 =	vsel vm15, $0x0, v2;
	[tilespmem:s4], [sflag:$0x1] =	stream.linear.gather [hbm4b:s28+s2], $0x80, $0x38;
	[tilespmem:$0x8100] =	vst v63  }
0x3a: {  	(xrf0) =	vadd.scan.msk.s32 $0xffff, v2;
	s22 =	simm.s32 $0x680;
	(v2sf) =	vpush v60, $0xF;
	s24 =	sadd.s32 s3, s5;
	s10 =	spop (v2sf)  }
0x3b: {  	[tilespmem:s12], [sflag:$0x1] =	stream.linear.gather [hbm4b:s24+s2], $0x80, $0x38;
	[tilespmem:$0x8100] =	vst v63  }
0x3c: {  	s29 =	simm.s32 $0x500;
	(v2sf) =	vpush v61, $0xF;
	s0 =	sshll.u32 s10, $0x4;
	s13 =	spop (v2sf)  }
0x3d: {  	s30 =	sshll.u32 s30, $0x4;
	s0 =	sand.u32 $0x1FFFFFF0, s0;
	s28 =	sshll.u32 s13, $0x4  }
0x3e: {  	s31 =	spop (v2sf);
	s28 =	sand.u32 $0x1FFFFFF0, s28;
	s0 =	sadd.s32 s3, s0  }
0x3f: {  	[tilespmem:s25], [sflag:$0x1] =	stream.linear.gather [hbm4b:s0+s2], $0x80, $0x38;
	[tilespmem:$0x8100] =	vst v63  }
0x40: {  	s30 =	sand.u32 $0x1FFFFFF0, s30;
	s4 =	sadd.s32 s3, s28;
	s1 =	spop (v2sf);
	(v2sf) =	vpush v62, $0xF  }
0x41: {  	v2, _, _ =	vpop (xrf0);
	[tilespmem:s26], [sflag:$0x1] =	stream.linear.gather [hbm4b:s4+s2], $0x80, $0x38;
	[tilespmem:$0x8100] =	vst v63  }
0x42: {  	s24 =	simm.s32 $0x580;
	s5 =	sshll.u32 s31, $0x4;
	s10 =	spop (v2sf);
	(v2sf) =	vpush v2, $0xF  }
0x43: {  	s31 =	sand.u32 $0x1FFFFFF0, s5;
	s12 =	sshll.u32 s10, $0x4;
	s13 =	spop (v2sf)  }
0x44: {  	s26 =	sshll.u32 s1, $0x4;
	s25 =	sand.u32 $0x1FFFFFF0, s12;
	s0 =	sshll.u32 s13, $0x4  }
.LBB2_2:
0x45: {  	s25 =	sadd.s32 s3, s25;
	s0 =	sand.u32 $0x1FFFFFF0, s0;
	s28 =	spop (v2sf)  }
0x46: {  	[tilespmem:s21], [sflag:$0x1] =	stream.linear.gather [hbm4b:s25+s2], $0x80, $0x38;
	[tilespmem:$0x8100] =	vst v63  }
0x47: {  	s0 =	sadd.s32 s3, s0;
	s21 =	sand.u32 $0x1FFFFFF0, s26;
	s25 =	sshll.u32 s28, $0x4  }
0x48: {  	[tilespmem:s20], [sflag:$0x1] =	stream.linear.gather [hbm4b:s0+s2], $0x80, $0x38;
	[tilespmem:$0x8100] =	vst v63  }
0x49: {  	s0 =	sadd.s32 s3, s30;
	s20 =	sand.u32 $0x1FFFFFF0, s25;
	s25 =	spop (v2sf)  }
0x4a: {  	[tilespmem:s29], [sflag:$0x1] =	stream.linear.gather [hbm4b:s0+s2], $0x80, $0x38;
	[tilespmem:$0x8100] =	vst v63  }
0x4b: {  	s0 =	sadd.s32 s3, s21;
	s21 =	sshll.u32 s25, $0x4;
	s25 =	spop (v2sf)  }
0x4c: {  	[tilespmem:s24], [sflag:$0x1] =	stream.linear.gather [hbm4b:s0+s2], $0x80, $0x38;
	[tilespmem:$0x8100] =	vst v63  }
0x4d: {  	s21 =	sand.u32 $0x1FFFFFF0, s21;
	s0 =	sadd.s32 s3, s31;
	s24 =	sshll.u32 s25, $0x4  }
0x4e: {  	[tilespmem:s23], [sflag:$0x1] =	stream.linear.gather [hbm4b:s0+s2], $0x80, $0x38;
	[tilespmem:$0x8100] =	vst v63  }
0x4f: {  	s0 =	sadd.s32 s3, s20;
	s20 =	sand.u32 $0x1FFFFFF0, s24;
	s23 =	spop (v2sf)  }
0x50: {  	[tilespmem:s22], [sflag:$0x1] =	stream.linear.gather [hbm4b:s0+s2], $0x80, $0x38;
	[tilespmem:$0x8100] =	vst v63  }
0x51: {  	s0 =	sadd.s32 s3, s21;
	s21 =	sshll.u32 s23, $0x4;
	s22 =	spop (v2sf)  }
0x52: {  	[tilespmem:s19], [sflag:$0x1] =	stream.linear.gather [hbm4b:s0+s2], $0x80, $0x38;
	[tilespmem:$0x8100] =	vst v63  }
0x53: {  	s0 =	sadd.s32 s3, s20;
	s19 =	sand.u32 $0x1FFFFFF0, s21;
	s20 =	sshll.u32 s22, $0x4  }
0x54: {  	[tilespmem:s18], [sflag:$0x1] =	stream.linear.gather [hbm4b:s0+s2], $0x80, $0x38;
	[tilespmem:$0x8100] =	vst v63  }
0x55: {  	s0 =	sadd.s32 $0x800, s16;
	s18 =	sadd.s32 s3, s19;
	s19 =	sand.u32 $0x1FFFFFF0, s20  }
0x56: {  	[tilespmem:s0], [sflag:$0x1] =	stream.linear.gather [hbm4b:s18+s2], $0x80, $0x38;
	[tilespmem:$0x8100] =	vst v63  }
0x57: {  	p0 =	sne.s32 s15, $0x1E000;
	s0 =	sadd.s32 $0x880, s16;
	s16 =	sadd.s32 s3, s19  }
0x58: {  	[tilespmem:s0], [sflag:$0x1] =	stream.linear.gather [hbm4b:s16+s2], $0x80, $0x38;
	[tilespmem:$0x8100] =	vst v63  }
0x59: {  	s0 =	smov.u32 s15;
	s15 =	sadd.s32 $0x2000, s15;
	v2 =	vld [tilespmem:s17+$0x0];
	_ =	sdelay $0x4  }
0x5a: {  	vm1 =	vlt.s32 v2, $0xC400  }
0x5b: {  	v3 =	vsel vm1, $0x0, v0  }
0x5c: {  	v2 =	vadd.s32 v2, v3  }
0x5d: {  	vm1 =	vlt.s32 v2, $0x6200  }
0x5e: {  	v3 =	vsel vm1, $0x0, v1  }
0x5f: {  	v2 =	vadd.s32 v2, v3  }
0x60: {  	v3 =	vnsel vm0, $0x0, v2;
	v4 =	vsel vm4, $0x0, v2;
	v5 =	vsel vm2, $0x0, v2  }
0x61: {  	vm1 =	vcmask $0x308;
	v6 =	vsel vm3, $0x0, v2;
	v7 =	vsel vm15, $0x0, v2;
	(xrf0) =	vadd.scan.msk.s32 $0xffff, v3  }
0x62: {  	v8 =	vsel vm7, $0x0, v2;
	v3 =	vsel vm1, $0x0, v2;
	(xrf0) =	vadd.scan.msk.s32 $0xffff, v6  }
0x63: {  	v6 =	vsel vm8, $0x0, v2;
	(xrf0) =	vadd.scan.msk.s32 $0xffff, v4  }
0x64: {  	v4 =	vsel vm9, $0x0, v2;
	(xrf0) =	vadd.scan.msk.s32 $0xffff, v3  }
0x65: {  	v3 =	vsel vm10, $0x0, v2;
	(xrf0) =	vadd.scan.msk.s32 $0xffff, v4  }
0x66: {  	v4 =	vsel vm6, $0x0, v2;
	(xrf0) =	vadd.scan.msk.s32 $0xffff, v3  }
0x67: {  	v3 =	vsel vm5, $0x0, v2;
	v9, _, _ =	vpop (xrf0);
	(xrf0) =	vadd.scan.msk.s32 $0xffff, v4  }
0x68: {  	v4 =	vsel vm11, $0x0, v2;
	(v2sf) =	vpush v9, $0xF;
	v9, _, _ =	vpop (xrf0);
	(xrf0) =	vadd.scan.msk.s32 $0xffff, v3  }
0x69: {  	v11 =	vsel vm12, $0x0, v2;
	(v2sf) =	vpush v9, $0xF;
	v9, _, _ =	vpop (xrf0);
	(xrf0) =	vadd.scan.msk.s32 $0xffff, v4  }
0x6a: {  	s16 =	sshra.s32 s0, $0x2;
	v4 =	vsel vm13, $0x0, v2;
	v10, _, _ =	vpop (xrf0);
	(v2sf) =	vpush v9, $0xF;
	(xrf0) =	vadd.scan.msk.s32 $0xffff, v11  }
0x6b: {  	s26 =	sadd.s32 $0x200, s16;
	v9 =	vsel vm14, $0x0, v2;
	(v2sf) =	vpush v10, $0xF;
	v3, _, _ =	vpop (xrf0);
	(xrf0) =	vadd.scan.msk.s32 $0xffff, v4  }
0x6c: {  	s25 =	sadd.s32 $0x300, s16;
	s20 =	sadd.s32 $0x480, s16;
	(v2sf) =	vpush v3, $0xF;
	v3, _, _ =	vpop (xrf0);
	(xrf0) =	vadd.scan.msk.s32 $0xffff, v9  }
0x6d: {  	s0 =	sadd.s32 $0x100, s16;
	s31 =	sadd.s32 $0x180, s16;
	v2, _, _ =	vpop (xrf0);
	(xrf0) =	vadd.scan.msk.s32 $0xffff, v5  }
0x6e: {  	s21 =	sadd.s32 $0x400, s16;
	v4, _, _ =	vpop (xrf0);
	(xrf0) =	vadd.scan.msk.s32 $0xffff, v8  }
0x6f: {  	s28 =	sadd.s32 $0x380, s16;
	(v2sf) =	vpush v4, $0xF;
	(xrf0) =	vadd.scan.msk.s32 $0xffff, v6;
	v4, _, _ =	vpop (xrf0)  }
0x70: {  	(v2sf) =	vpush v2, $0xF;
	v2, _, _ =	vpop (xrf0);
	(xrf0) =	vadd.scan.msk.s32 $0xffff, v7  }
0x71: {  	(v2sf) =	vpush v4, $0xF;
	v4, _, _ =	vpop (xrf0)  }
0x72: {  	v5, _, _ =	vpop (xrf0)  }
0x73: {  	v6, _, _ =	vpop (xrf0)  }
0x74: {  	v7, _, _ =	vpop (xrf0);
	(v2sf) =	vpush v3, $0xF  }
0x75: {  	v3, _, _ =	vpop (xrf0)  }
0x76: {  	s17 =	sadd.s32 $0x10, s17;
	s19 =	sadd.s32 $0x700, s16;
	s18 =	sadd.s32 $0x780, s16;
	(v2sf) =	vpush v7, $0xF;
	v7, _, _ =	vpop (xrf0)  }
0x77: {  	s23 =	sadd.s32 $0x600, s16;
	s22 =	sadd.s32 $0x680, s16;
	s24 =	spop (v2sf)  }
0x78: {  	s29 =	sshll.u32 s24, $0x4;
	s24 =	sadd.s32 $0x580, s16;
	s30 =	spop (v2sf);
	(v2sf) =	vpush v3, $0xF  }
0x79: {  	s29 =	sand.u32 $0x1FFFFFF0, s29;
	s30 =	sshll.u32 s30, $0x4;
	s1 =	spop (v2sf)  }
0x7a: {  	s29 =	sadd.s32 s3, s29;
	s10 =	sand.u32 $0x1FFFFFF0, s30;
	s30 =	spop (v2sf)  }
0x7b: {  	s1 =	sshll.u32 s1, $0x4;
	s30 =	sshll.u32 s30, $0x4;
	s12 =	spop (v2sf)  }
0x7c: {  	s1 =	sand.u32 $0x1FFFFFF0, s1;
	s13 =	sand.u32 $0x1FFFFFF0, s30;
	s12 =	sshll.u32 s12, $0x4;
	(v2sf) =	vpush v2, $0xF  }
0x7d: {  	[tilespmem:s0], [sflag:$0x1] =	stream.linear.gather [hbm4b:s29+s2], $0x80, $0x38;
	[tilespmem:$0x8100] =	vst v63  }
0x7e: {  	s29 =	sadd.s32 $0x500, s16;
	s30 =	sand.u32 $0x1FFFFFF0, s12;
	s0 =	spop (v2sf)  }
0x7f: {  	s12 =	sadd.s32 $0x280, s16;
	s0 =	sshll.u32 s0, $0x4;
	s4 =	spop (v2sf)  }
0x80: {  	s0 =	sand.u32 $0x1FFFFFF0, s0;
	s4 =	sshll.u32 s4, $0x4;
	s5 =	spop (v2sf);
	(v2sf) =	vpush v4, $0xF  }
0x81: {  	s13 =	sadd.s32 s3, s13;
	s4 =	sand.u32 $0x1FFFFFF0, s4;
	s5 =	sshll.u32 s5, $0x4  }
0x82: {  	[tilespmem:s31], [sflag:$0x1] =	stream.linear.gather [hbm4b:s13+s2], $0x80, $0x38;
	(v2sf) =	vpush v5, $0xF;
	[tilespmem:$0x8100] =	vst v63  }
0x83: {  	s10 =	sadd.s32 s3, s10;
	s31 =	sand.u32 $0x1FFFFFF0, s5;
	s5 =	spop (v2sf)  }
0x84: {  	[tilespmem:s26], [sflag:$0x1] =	stream.linear.gather [hbm4b:s10+s2], $0x80, $0x38;
	[tilespmem:$0x8100] =	vst v63  }
0x85: {  	s1 =	sadd.s32 s3, s1;
	s26 =	sshll.u32 s5, $0x4;
	s5 =	spop (v2sf)  }
0x86: {  	[tilespmem:s12], [sflag:$0x1] =	stream.linear.gather [hbm4b:s1+s2], $0x80, $0x38;
	[tilespmem:$0x8100] =	vst v63  }
.Ltmp0:
0x87: {  	(v2sf) =	vpush v6, $0xF;
	(pc) =	sbr.rel @p0 .LBB2_2-.Ltmp0, $4  }
0x88: {  	s0 =	sadd.s32 s3, s0;
	s1 =	sshll.u32 s5, $0x4;
	s5 =	spop (v2sf)  }
0x89: {  	[tilespmem:s25], [sflag:$0x1] =	stream.linear.gather [hbm4b:s0+s2], $0x80, $0x38;
	(v2sf) =	vpush v7, $0xF;
	[tilespmem:$0x8100] =	vst v63  }
0x8a: {  	s4 =	sadd.s32 s3, s4;
	s25 =	sand.u32 $0x1FFFFFF0, s1;
	s0 =	sshll.u32 s5, $0x4  }
0x8b: {  	[tilespmem:s28], [sflag:$0x1] =	stream.linear.gather [hbm4b:s4+s2], $0x80, $0x38;
	[tilespmem:$0x8100] =	vst v63  }
0x8c: {  	s1 =	sadd.s32 s3, s25;
	s0 =	sand.u32 $0x1FFFFFF0, s0;
	s4 =	spop (v2sf)  }
0x8d: {  	[tilespmem:s21], [sflag:$0x1] =	stream.linear.gather [hbm4b:s1+s2], $0x80, $0x38;
	[tilespmem:$0x8100] =	vst v63  }
0x8e: {  	s28 =	sand.u32 $0x1FFFFFF0, s26;
	s30 =	sadd.s32 s3, s30;
	s0 =	sadd.s32 s3, s0  }
0x8f: {  	[tilespmem:s20], [sflag:$0x1] =	stream.linear.gather [hbm4b:s0+s2], $0x80, $0x38;
	[tilespmem:$0x8100] =	vst v63  }
0x90: {  	s13 =	sadd.s32 s3, s31;
	s4 =	sshll.u32 s4, $0x4;
	s5 =	spop (v2sf)  }
0x91: {  	[tilespmem:s29], [sflag:$0x1] =	stream.linear.gather [hbm4b:s30+s2], $0x80, $0x38;
	[tilespmem:$0x8100] =	vst v63  }
0x92: {  	s1 =	sadd.s32 s3, s28;
	s4 =	sand.u32 $0x1FFFFFF0, s4;
	s12 =	spop (v2sf)  }
0x93: {  	[tilespmem:s24], [sflag:$0x1] =	stream.linear.gather [hbm4b:s1+s2], $0x80, $0x38;
	[tilespmem:$0x8100] =	vst v63  }
0x94: {  	s15 =	sadd.s32 s3, s4;
	s10 =	sshll.u32 s5, $0x4;
	s5 =	sshll.u32 s12, $0x4  }
0x95: {  	[tilespmem:s23], [sflag:$0x1] =	stream.linear.gather [hbm4b:s13+s2], $0x80, $0x38;
	[tilespmem:$0x8100] =	vst v63  }
0x96: {  	s1 =	sand.u32 $0x1FFFFFF0, s10;
	s17 =	sand.u32 $0x1FFFFFF0, s5;
	s20 =	spop (v2sf)  }
0x97: {  	[tilespmem:s22], [sflag:$0x1] =	stream.linear.gather [hbm4b:s15+s2], $0x80, $0x38;
	[tilespmem:$0x8100] =	vst v63  }
0x98: {  	s21 =	sadd.s32 s3, s1;
	s22 =	sshll.u32 s20, $0x4;
	s23 =	spop (v2sf)  }
0x99: {  	[tilespmem:s19], [sflag:$0x1] =	stream.linear.gather [hbm4b:s21+s2], $0x80, $0x38;
	[tilespmem:$0x8100] =	vst v63  }
0x9a: {  	s24 =	sadd.s32 s3, s17;
	s1 =	sand.u32 $0x1FFFFFF0, s22;
	s25 =	sshll.u32 s23, $0x4  }
0x9b: {  	[tilespmem:s18], [sflag:$0x1] =	stream.linear.gather [hbm4b:s24+s2], $0x80, $0x38;
	[tilespmem:$0x8100] =	vst v63  }
0x9c: {  	s26 =	sadd.s32 $0x800, s16;
	s1 =	sadd.s32 s3, s1;
	s4 =	sand.u32 $0x1FFFFFF0, s25  }
0x9d: {  	[tilespmem:s26], [sflag:$0x1] =	stream.linear.gather [hbm4b:s1+s2], $0x80, $0x38;
	[tilespmem:$0x8100] =	vst v63  }
0x9e: {  	s28 =	sadd.s32 $0x880, s16;
	s29 =	sadd.s32 s3, s4  }
0x9f: {  	[tilespmem:s28], [sflag:$0x1] =	stream.linear.gather [hbm4b:s29+s2], $0x80, $0x38;
	[tilespmem:$0x8100] =	vst v63  }
0xa0: {  	_ =	swait.ge [sflag:s11], $0x8000  }
0xa1: {  	[sflag:s11] =	ssyncset.done $0x0  }
0xa2: {  	s30 =	simm.s32 $0x100;
	[sflag:s11] =	ssyncadd.s32 $0xFFFF8000  }
0xa3: {  	[hbm4b:s6+s2] =	stream.linear.scatter [tilespmem:s30], [sflag:$0x2], $0x4000, $0x38;
	[tilespmem:$0x8100] =	vst v63  }
0xa4: {  	s14 =	sadd.s32 $0x1, s14;
	_ =	swait.ge [sflag:s9], $0x4000  }
0xa5: {  	p0 =	sne.s32 s14, s8;
	[sflag:s9] =	ssyncset.done $0x0  }
.Ltmp1:
0xa6: {  	s31 =	simm.s32 $0x4100;
	[sflag:s9] =	ssyncadd.s32 $0xFFFFC000;
	(pc) =	sbr.rel @p0 .LBB2_1-.Ltmp1, $4  }
0xa7: {  	[hbm4b:s7+s2] =	stream.linear.scatter [tilespmem:s31], [sflag:$0x2], $0x4000, $0x38;
	[tilespmem:$0x8100] =	vst v63  }
0xa8: {  	_ =	swait.ge [sflag:s9], $0x4000  }
0xa9: {  	[sflag:s9] =	ssyncset.done $0x0  }
0xaa: {  	vm7 =	vmmov vm2;
	[sflag:s9] =	ssyncadd.s32 $0xFFFFC000  }
0xab: {  	_ =	sfence.sel $0x180000  }
0xac: {  	[bflag:$0x0] =	sbarrier.arrive $0xFFFF  }
0xad: {  	_ =	strace $0x90000047  }
0xae: {  	s0 =	stileid.u32;
	[bflag:$0x2] =	sbarrier.arrive $0xFFFF  }
0xaf: {  	p0 =	sne.s32 s0, $0x0;
	s0 =	rddreg [dreg:$0x3]  }
0xb0: {  	s0 =	sadd.s32 @!p0 $0x100000, s0  }
0xb1: {  	[sflag:s0] =	ssyncadd.tile.s32 @!p0 $0x1;
	_ =	shalt  }
.Lfunc_end2:
_tile_overlayer_lowered:
.L_overlay_start_2:
0xb2: {  	(tag) =	ssettag $0x2  }
0xb3: {  	s0 =	rddreg [dreg:$0x0];
	s2 =	stileid.u32  }
0xb4: {  	s1 =	rddreg [dreg:$0x1];
	p0 =	sne.s32 s2, $0x0  }
0xb5: {  	s3 =	rddreg [dreg:$0x2];
	[bflag:$0x3] =	sbarrier.arrive $0xFFFF;
	s2 =	simm.s32 @!p0 $0x1C02  }
0xb6: {  	[timem:s3], [sflag:s2] =	dma.local @!p0 [hbm:s0], s1  }
0xb7: {  	s0 =	simm.s32 @!p0 $0x2  }
0xb8: {  	_ =	swait.ge @!p0 [sflag:s0], s1  }
0xb9: {  	s1 =	ssub.s32 @!p0 $0x0, s1;
	[sflag:s0] =	ssyncset.done @!p0 $0x0  }
0xba: {  	[sflag:s0] =	ssyncadd.s32 @!p0 s1  }
0xbb: {  	[bflag:$0x3] =	sbarrier.arrive $0xFFFF  }
0xbc: {  	_ =	shalt  }

</sc_bundles>
